<compile_context>
chip_gen: v7x
topology: tpu7x:2x2x1
jax: 0.10.2.dev20260603
libtpu: 0.0.44.dev20260713+nightly
codegen_flags: <defaults>
</compile_context>

<pallas_src>
import jax
import jax.numpy as jnp
from jax import lax
from jax.experimental import pallas as pl
from jax.experimental.pallas import tpu as pltpu
from jax.experimental.pallas import tpu_sc as plsc

_N = 10000
_NP = 10240
_E = 320000
_D = 128
_H = 16
_GAMMA = -0.5
_ZETA = 1.1
_NC = 2
_NS = 16
_NW = _NC * _NS
_L = 16
_NCH = _E // _D
_WIN = 79
_WE = _WIN * _D


def _prep_body(x_ref, W2_ref, b2_ref, aw_ref, ab_ref, e1_ref, e2_ref):
    ab = ab_ref[0, 0]
    xb = x_ref[...]
    iT = jnp.maximum(
        lax.dot_general(W2_ref[...], xb, (((0,), (1,)), ((), ())),
                        preferred_element_type=jnp.float32) + b2_ref[...],
        0.0)
    aw = aw_ref[...]
    a1T = lax.dot_general(aw[:_H], iT[:_H], (((0,), (0,)), ((), ())),
                          preferred_element_type=jnp.float32)
    a2T = lax.dot_general(aw[_H:], iT[_H:], (((0,), (0,)), ((), ())),
                          preferred_element_type=jnp.float32)
    e1_ref[...] = jnp.exp(-(a1T + 0.5 * ab)).reshape(40, _D)
    e2_ref[...] = jnp.exp(-(a2T + 0.5 * ab)).reshape(40, _D)


def _edge1_body(e1_hbm, e2_hbm, ei_hbm, noise_hbm, adj_hbm,
                masked_hbm, rowsum_hbm,
                e1_v, e2_v, ei_v, nz_v, adj_v, masked_v, rowsum_v, sem):
    cid = lax.axis_index("c")
    sid = lax.axis_index("s")
    wid = sid * _NC + cid
    own_lo = (wid * _NCH) // _NW * _D
    own_hi = ((wid + 1) * _NCH) // _NW * _D
    rb = jnp.minimum(own_lo // _D, _NCH - _WIN)
    ebase = pl.multiple_of(rb * _D, _D)
    cps = [pltpu.async_copy(e1_hbm, e1_v, sem),
           pltpu.async_copy(e2_hbm, e2_v, sem),
           pltpu.async_copy(ei_hbm.at[pl.ds(rb, _WIN)], ei_v, sem),
           pltpu.async_copy(noise_hbm.at[pl.ds(rb, _WIN)], nz_v, sem),
           pltpu.async_copy(adj_hbm.at[pl.ds(ebase, _WE)], adj_v, sem)]

    @plsc.parallel_loop(0, _NP // _L, unroll=8)
    def zero_body(i):
        rowsum_v[i >> 3, pl.ds((i & 7) * _L, _L)] = jnp.zeros((_L,),
                                                              jnp.float32)

    for cp in cps:
        cp.wait()

    lane = lax.iota(jnp.int32, _L)

    @plsc.parallel_loop(0, _WE // _L, unroll=8)
    def body(i):
        s = pl.ds(i * _L, _L)
        c8 = i >> 3
        sl = pl.ds((i & 7) * _L, _L)
        r16 = ei_v[c8, 0, sl]
        k16 = ei_v[c8, 1, sl]
        e1r = plsc.load_gather(e1_v, [r16])
        e2c = plsc.load_gather(e2_v, [k16])
        rn = nz_v[c8, 0, sl] + 1e-7
        q = e1r * e2c
        gate = rn / (rn + (1.0 - rn) * q)
        m = jnp.clip(gate * (_ZETA - _GAMMA) + _GAMMA, 0.0, 1.0)
        mv = adj_v[s] * m
        masked_v[s] = mv
        g = (ebase + i * _L) + lane
        own = jnp.logical_and(g >= own_lo, g < own_hi)
        plsc.addupdate_scatter(
            rowsum_v,
            [lax.shift_right_logical(r16, 7), jnp.bitwise_and(r16, 127)],
            mv, mask=own)

    ocp1 = pltpu.async_copy(masked_v, masked_hbm.at[pl.ds(ebase, _WE)], sem)
    ocp2 = pltpu.async_copy(rowsum_v, rowsum_hbm.at[wid], sem)
    ocp1.wait()
    ocp2.wait()


def _norm_body(rowsum_ref, dinv_ref):
    s = jnp.sum(rowsum_ref[...], axis=0) + 1e-10
    dinv_ref[...] = lax.rsqrt(s)


def _edge2_body(dinv_hbm, ei_hbm, masked_hbm, out_hbm,
                dinv_v, ei_v, masked_v, out_v, sem):
    cid = lax.axis_index("c")
    sid = lax.axis_index("s")
    wid = sid * _NC + cid
    own_lo = (wid * _NCH) // _NW * _D
    rb = jnp.minimum(own_lo // _D, _NCH - _WIN)
    ebase = pl.multiple_of(rb * _D, _D)
    cps = [pltpu.async_copy(dinv_hbm, dinv_v, sem),
           pltpu.async_copy(ei_hbm.at[pl.ds(rb, _WIN)], ei_v, sem),
           pltpu.async_copy(masked_hbm.at[pl.ds(ebase, _WE)], masked_v, sem)]
    for cp in cps:
        cp.wait()

    @plsc.parallel_loop(0, _WE // _L, unroll=8)
    def body(i):
        s = pl.ds(i * _L, _L)
        c8 = i >> 3
        sl = pl.ds((i & 7) * _L, _L)
        dr = plsc.load_gather(dinv_v, [ei_v[c8, 0, sl]])
        dc = plsc.load_gather(dinv_v, [ei_v[c8, 1, sl]])
        out_v[s] = masked_v[s] * dr * dc

    pltpu.sync_copy(out_v, out_hbm.at[pl.ds(ebase, _WE)])


_mesh = plsc.VectorSubcoreMesh(core_axis_name="c", subcore_axis_name="s",
                               num_cores=_NC, num_subcores=_NS)

_sc_params = pltpu.CompilerParams(needs_layout_passes=False)

_edge1 = pl.kernel(
    _edge1_body,
    out_type=[jax.ShapeDtypeStruct((_E,), jnp.float32),
              jax.ShapeDtypeStruct((_NW, _NP // _D, _D), jnp.float32)],
    mesh=_mesh,
    scratch_types=[pltpu.VMEM((_NP,), jnp.float32),
                   pltpu.VMEM((_NP,), jnp.float32),
                   pltpu.VMEM((_WIN, 2, _D), jnp.int32),
                   pltpu.VMEM((_WIN, 1, _D), jnp.float32),
                   pltpu.VMEM((_WE,), jnp.float32),
                   pltpu.VMEM((_WE,), jnp.float32),
                   pltpu.VMEM((_NP // _D, _D), jnp.float32),
                   pltpu.SemaphoreType.DMA],
    compiler_params=_sc_params,
)

_edge2 = pl.kernel(
    _edge2_body,
    out_type=jax.ShapeDtypeStruct((_E,), jnp.float32),
    mesh=_mesh,
    scratch_types=[pltpu.VMEM((_NP,), jnp.float32),
                   pltpu.VMEM((_WIN, 2, _D), jnp.int32),
                   pltpu.VMEM((_WE,), jnp.float32),
                   pltpu.VMEM((_WE,), jnp.float32),
                   pltpu.SemaphoreType.DMA],
    compiler_params=_sc_params,
)


def kernel(x, edge_index, adj_values, noise, nb_W, nb_b, self_W, self_b,
           att_W, att_b):
    nblk = _NP // _D

    W2 = jnp.concatenate([nb_W, self_W], axis=1)
    b2 = jnp.concatenate([nb_b, self_b]).reshape(2 * _H, 1)
    e1_2d, e2_2d = pl.pallas_call(
        _prep_body,
        grid=(nblk // 40,),
        in_specs=[
            pl.BlockSpec((40 * _D, _D), lambda g: (g, 0)),
            pl.BlockSpec((_D, 2 * _H), lambda g: (0, 0)),
            pl.BlockSpec((2 * _H, 1), lambda g: (0, 0)),
            pl.BlockSpec((2 * _H, 1), lambda g: (0, 0)),
            pl.BlockSpec((1, 1), lambda g: (0, 0)),
        ],
        out_specs=[pl.BlockSpec((40, _D), lambda g: (g, 0)),
                   pl.BlockSpec((40, _D), lambda g: (g, 0))],
        out_shape=[jax.ShapeDtypeStruct((nblk, _D), jnp.float32),
                   jax.ShapeDtypeStruct((nblk, _D), jnp.float32)],
    )(x, W2, b2, att_W, att_b.reshape(1, 1))

    e1 = e1_2d.reshape(_NP)
    e2 = e2_2d.reshape(_NP)

    et = edge_index.reshape(2, _NCH, _D).transpose(1, 0, 2)
    noise3 = noise.reshape(_NCH, 1, _D)
    masked, rowsum_p = _edge1(e1, e2, et, noise3, adj_values)

    dinv2d = pl.pallas_call(
        _norm_body,
        out_shape=jax.ShapeDtypeStruct((nblk, _D), jnp.float32),
    )(rowsum_p)
    dinv = dinv2d.reshape(_NP)

    return _edge2(dinv, et, masked)

# --- scband reference (transcript-rebuilt; emitter-appended) ---
"""Pipeline reference for scband-denoising-net-54185307407141 (READ-ONLY COPY).

The authoritative reference and input builder live on the scoring server;
editing this copy changes nothing except your own understanding.
"""

import jax, jax.numpy as jnp
import numpy as np

N = 10000
E = 320000
D = 128
H = 16
GAMMA = -0.5
ZETA = 1.1


def setup_inputs(seed: int = 0) -> dict:
    key = jax.random.key(seed)
    ks = jax.random.split(key, 10)
    x = jax.random.normal(ks[0], (N, D), dtype=jnp.float32)
    edge_index = jax.random.randint(ks[1], (2, E), 0, N, dtype=jnp.int32)
    adj_values = jax.random.uniform(ks[2], (E,), dtype=jnp.float32)
    noise = jax.random.uniform(ks[3], (E, 1), dtype=jnp.float32)

    def lin(k, fan_in, shape):
        bound = 1.0 / np.sqrt(fan_in)
        return jax.random.uniform(k, shape, minval=-bound, maxval=bound, dtype=jnp.float32)

    nb_W = lin(ks[4], D, (D, H))
    nb_b = lin(ks[5], D, (H,))
    self_W = lin(ks[6], D, (D, H))
    self_b = lin(ks[7], D, (H,))
    att_W = lin(ks[8], 2 * H, (2 * H, 1))
    att_b = lin(ks[9], 2 * H, (1,))
    return {
        'x': x,
        'edge_index': edge_index,
        'adj_values': adj_values,
        'noise': noise,
        'nb_W': nb_W,
        'nb_b': nb_b,
        'self_W': self_W,
        'self_b': self_b,
        'att_W': att_W,
        'att_b': att_b,
    }


def reference(x, edge_index, adj_values, noise, nb_W, nb_b, self_W, self_b, att_W, att_b):
    row = edge_index[0]
    col = edge_index[1]
    # get_attention: gather endpoint features per edge, two small MLP branches, concat -> scalar logit
    f1 = jnp.take(x, row, axis=0)
    f2 = jnp.take(x, col, axis=0)
    i1 = jax.nn.relu(f1 @ nb_W + nb_b)
    i2 = jax.nn.relu(f2 @ self_W + self_b)
    log_alpha = jnp.concatenate([i1, i2], axis=1) @ att_W + att_b  # [E, 1]
    # hard_concrete_sample (training=True): externally supplied uniform noise for determinism
    rn = noise + 1e-07
    gate_inputs = jax.nn.sigmoid(jnp.log(rn) - jnp.log(1.0 - rn) + log_alpha)
    stretched = gate_inputs * (ZETA - GAMMA) + GAMMA
    mask = jnp.clip(stretched, 0.0, 1.0)[:, 0]
    masked_values = adj_values * mask
    # sparse rowsum (coalesce's duplicate-summation is equivalent to segment_sum here)
    rowsum = jax.ops.segment_sum(masked_values, row, num_segments=N) + 1e-10
    d_inv_sqrt = jnp.power(rowsum, -0.5)
    d_inv_sqrt = jnp.where(jnp.isinf(d_inv_sqrt), 0.0, d_inv_sqrt)
    norm_values = masked_values * jnp.take(d_inv_sqrt, row) * jnp.take(d_inv_sqrt, col)
    return norm_values

if __name__ == "__main__":
    import jax
    _d = setup_inputs()
    print(jax.jit(kernel)(*tuple(_d.values())))

</pallas_src>

<mosaic_0001>
#map = affine_map<(d0, d1) -> (0)>
#map1 = affine_map<(d0, d1) -> (0, 0, 0)>
module attributes {stable_mosaic.version = 14 : i64} {
  func.func @_edge1_body(%arg0: i32, %arg1: i32, %arg2: memref<10240xf32, #tpu.memory_space<hbm>>, %arg3: memref<10240xf32, #tpu.memory_space<hbm>>, %arg4: memref<2500x2x128xi32, #tpu.memory_space<hbm>>, %arg5: memref<2500x1x128xf32, #tpu.memory_space<hbm>>, %arg6: memref<320000xf32, #tpu.memory_space<hbm>>, %arg7: memref<320000xf32, #tpu.memory_space<hbm>>, %arg8: memref<32x80x128xf32, #tpu.memory_space<hbm>>, %arg9: memref<10240xf32, #tpu.memory_space<vmem>>, %arg10: memref<10240xf32, #tpu.memory_space<vmem>>, %arg11: memref<79x2x128xi32, #tpu.memory_space<vmem>>, %arg12: memref<79x1x128xf32, #tpu.memory_space<vmem>>, %arg13: memref<10112xf32, #tpu.memory_space<vmem>>, %arg14: memref<10112xf32, #tpu.memory_space<vmem>>, %arg15: memref<80x128xf32, #tpu.memory_space<vmem>>, %arg16: memref<!tpu.dma_semaphore, #tpu.memory_space<semaphore_mem>>) attributes {dimension_semantics = [#tpu.dimension_semantics<core_parallel>, #tpu.dimension_semantics<subcore_parallel>], iteration_bounds = array<i64: 2, 16>, scalar_prefetch = 0 : i64, scratch_operands = 8 : i64, tpu.core_type = #tpu.core_type<sc_vector_subcore>, window_params = [{transform_indices = #map}, {transform_indices = #map}, {transform_indices = #map1}, {transform_indices = #map1}, {transform_indices = #map}, {transform_indices = #map}, {transform_indices = #map1}]} {
    %mul3A = arith.constant 2 : i32
    %mul3A_0 = arith.muli %arg1, %mul3A : i32
    %add3A = arith.addi %mul3A_0, %arg0 : i32
    %mul3A_1 = arith.constant 2500 : i32
    %mul3A_2 = arith.muli %add3A, %mul3A_1 : i32
    %jit3A = arith.constant 32 : i32
    %div3A = arith.divsi %mul3A_2, %jit3A : i32
    %sign3A = arith.constant 0 : i32
    %sign3A_3 = arith.cmpi sgt, %mul3A_2, %sign3A : i32
    %sign3A_4 = arith.extui %sign3A_3 : i1 to i32
    %sign3A_5 = arith.constant 0 : i32
    %sign3A_6 = arith.cmpi slt, %mul3A_2, %sign3A_5 : i32
    %sign3A_7 = arith.extui %sign3A_6 : i1 to i32
    %sign3A_8 = arith.subi %sign3A_4, %sign3A_7 : i32
    %sign3A_9 = arith.constant 0 : i32
    %sign3A_10 = arith.cmpi sgt, %jit3A, %sign3A_9 : i32
    %sign3A_11 = arith.extui %sign3A_10 : i1 to i32
    %sign3A_12 = arith.constant 0 : i32
    %sign3A_13 = arith.cmpi slt, %jit3A, %sign3A_12 : i32
    %sign3A_14 = arith.extui %sign3A_13 : i1 to i32
    %sign3A_15 = arith.subi %sign3A_11, %sign3A_14 : i32
    %ne3A = arith.cmpi ne, %sign3A_8, %sign3A_15 : i32
    %rem3A = arith.remsi %mul3A_2, %jit3A : i32
    %ne3A_16 = arith.constant 0 : i32
    %ne3A_17 = arith.cmpi ne, %rem3A, %ne3A_16 : i32
    %and3A = arith.andi %ne3A, %ne3A_17 : i1
    %sub3A = arith.constant 1 : i32
    %sub3A_18 = arith.subi %div3A, %sub3A : i32
    %select_n3A = arith.select %and3A, %sub3A_18, %div3A : i32
    %mul3A_19 = arith.constant 128 : i32
    %mul3A_20 = arith.muli %select_n3A, %mul3A_19 : i32
    %add3A_21 = arith.constant 1 : i32
    %add3A_22 = arith.addi %add3A, %add3A_21 : i32
    %mul3A_23 = arith.constant 2500 : i32
    %mul3A_24 = arith.muli %add3A_22, %mul3A_23 : i32
    %jit3A_25 = arith.constant 32 : i32
    %div3A_26 = arith.divsi %mul3A_24, %jit3A_25 : i32
    %sign3A_27 = arith.constant 0 : i32
    %sign3A_28 = arith.cmpi sgt, %mul3A_24, %sign3A_27 : i32
    %sign3A_29 = arith.extui %sign3A_28 : i1 to i32
    %sign3A_30 = arith.constant 0 : i32
    %sign3A_31 = arith.cmpi slt, %mul3A_24, %sign3A_30 : i32
    %sign3A_32 = arith.extui %sign3A_31 : i1 to i32
    %sign3A_33 = arith.subi %sign3A_29, %sign3A_32 : i32
    %sign3A_34 = arith.constant 0 : i32
    %sign3A_35 = arith.cmpi sgt, %jit3A_25, %sign3A_34 : i32
    %sign3A_36 = arith.extui %sign3A_35 : i1 to i32
    %sign3A_37 = arith.constant 0 : i32
    %sign3A_38 = arith.cmpi slt, %jit3A_25, %sign3A_37 : i32
    %sign3A_39 = arith.extui %sign3A_38 : i1 to i32
    %sign3A_40 = arith.subi %sign3A_36, %sign3A_39 : i32
    %ne3A_41 = arith.cmpi ne, %sign3A_33, %sign3A_40 : i32
    %rem3A_42 = arith.remsi %mul3A_24, %jit3A_25 : i32
    %ne3A_43 = arith.constant 0 : i32
    %ne3A_44 = arith.cmpi ne, %rem3A_42, %ne3A_43 : i32
    %and3A_45 = arith.andi %ne3A_41, %ne3A_44 : i1
    %sub3A_46 = arith.constant 1 : i32
    %sub3A_47 = arith.subi %div3A_26, %sub3A_46 : i32
    %select_n3A_48 = arith.select %and3A_45, %sub3A_47, %div3A_26 : i32
    %mul3A_49 = arith.constant 128 : i32
    %mul3A_50 = arith.muli %select_n3A_48, %mul3A_49 : i32
    %jit3A_51 = arith.constant 128 : i32
    %div3A_52 = arith.divsi %mul3A_20, %jit3A_51 : i32
    %sign3A_53 = arith.constant 0 : i32
    %sign3A_54 = arith.cmpi sgt, %mul3A_20, %sign3A_53 : i32
    %sign3A_55 = arith.extui %sign3A_54 : i1 to i32
    %sign3A_56 = arith.constant 0 : i32
    %sign3A_57 = arith.cmpi slt, %mul3A_20, %sign3A_56 : i32
    %sign3A_58 = arith.extui %sign3A_57 : i1 to i32
    %sign3A_59 = arith.subi %sign3A_55, %sign3A_58 : i32
    %sign3A_60 = arith.constant 0 : i32
    %sign3A_61 = arith.cmpi sgt, %jit3A_51, %sign3A_60 : i32
    %sign3A_62 = arith.extui %sign3A_61 : i1 to i32
    %sign3A_63 = arith.constant 0 : i32
    %sign3A_64 = arith.cmpi slt, %jit3A_51, %sign3A_63 : i32
    %sign3A_65 = arith.extui %sign3A_64 : i1 to i32
    %sign3A_66 = arith.subi %sign3A_62, %sign3A_65 : i32
    %ne3A_67 = arith.cmpi ne, %sign3A_59, %sign3A_66 : i32
    %rem3A_68 = arith.remsi %mul3A_20, %jit3A_51 : i32
    %ne3A_69 = arith.constant 0 : i32
    %ne3A_70 = arith.cmpi ne, %rem3A_68, %ne3A_69 : i32
    %and3A_71 = arith.andi %ne3A_67, %ne3A_70 : i1
    %sub3A_72 = arith.constant 1 : i32
    %sub3A_73 = arith.subi %div3A_52, %sub3A_72 : i32
    %select_n3A_74 = arith.select %and3A_71, %sub3A_73, %div3A_52 : i32
    %min3A = arith.constant 2421 : i32
    %min3A_75 = arith.minsi %select_n3A_74, %min3A : i32
    %mul3A_76 = arith.constant 128 : i32
    %mul3A_77 = arith.muli %min3A_75, %mul3A_76 : i32
    %multiple_of3A = tpu.assume_multiple %mul3A_77, 128 : i32
    tpu.enqueue_dma source(%arg2 : memref<10240xf32, #tpu.memory_space<hbm>>) target(%arg9 : memref<10240xf32, #tpu.memory_space<vmem>>) target_semaphore(%arg16 : memref<!tpu.dma_semaphore, #tpu.memory_space<semaphore_mem>>)
    tpu.enqueue_dma source(%arg3 : memref<10240xf32, #tpu.memory_space<hbm>>) target(%arg10 : memref<10240xf32, #tpu.memory_space<vmem>>) target_semaphore(%arg16 : memref<!tpu.dma_semaphore, #tpu.memory_space<semaphore_mem>>)
    %dma_start3A = arith.constant 0 : i32
    %dma_start3A_78 = arith.constant 0 : i32
    %dma_start3A_79 = tpu.memref_slice %arg4[%min3A_75, %dma_start3A, %dma_start3A_78] : memref<2500x2x128xi32, #tpu.memory_space<hbm>> -> memref<79x2x128xi32, #tpu.memory_space<hbm>>
    %dma_start3A_80 = arith.constant 0 : i32
    %dma_start3A_81 = arith.constant 0 : i32
    %dma_start3A_82 = tpu.memref_slice %arg4[%min3A_75, %dma_start3A_80, %dma_start3A_81] : memref<2500x2x128xi32, #tpu.memory_space<hbm>> -> memref<79x2x128xi32, #tpu.memory_space<hbm>>
    tpu.enqueue_dma source(%dma_start3A_82 : memref<79x2x128xi32, #tpu.memory_space<hbm>>) target(%arg11 : memref<79x2x128xi32, #tpu.memory_space<vmem>>) target_semaphore(%arg16 : memref<!tpu.dma_semaphore, #tpu.memory_space<semaphore_mem>>)
    %dma_start3A_83 = arith.constant 0 : i32
    %dma_start3A_84 = arith.constant 0 : i32
    %dma_start3A_85 = tpu.memref_slice %arg5[%min3A_75, %dma_start3A_83, %dma_start3A_84] : memref<2500x1x128xf32, #tpu.memory_space<hbm>> -> memref<79x1x128xf32, #tpu.memory_space<hbm>>
    %dma_start3A_86 = arith.constant 0 : i32
    %dma_start3A_87 = arith.constant 0 : i32
    %dma_start3A_88 = tpu.memref_slice %arg5[%min3A_75, %dma_start3A_86, %dma_start3A_87] : memref<2500x1x128xf32, #tpu.memory_space<hbm>> -> memref<79x1x128xf32, #tpu.memory_space<hbm>>
    tpu.enqueue_dma source(%dma_start3A_88 : memref<79x1x128xf32, #tpu.memory_space<hbm>>) target(%arg12 : memref<79x1x128xf32, #tpu.memory_space<vmem>>) target_semaphore(%arg16 : memref<!tpu.dma_semaphore, #tpu.memory_space<semaphore_mem>>)
    %dma_start3A_89 = tpu.memref_slice %arg6[%multiple_of3A] : memref<320000xf32, #tpu.memory_space<hbm>> -> memref<10112xf32, #tpu.memory_space<hbm>>
    %dma_start3A_90 = tpu.memref_slice %arg6[%multiple_of3A] : memref<320000xf32, #tpu.memory_space<hbm>> -> memref<10112xf32, #tpu.memory_space<hbm>>
    tpu.enqueue_dma source(%dma_start3A_90 : memref<10112xf32, #tpu.memory_space<hbm>>) target(%arg13 : memref<10112xf32, #tpu.memory_space<vmem>>) target_semaphore(%arg16 : memref<!tpu.dma_semaphore, #tpu.memory_space<semaphore_mem>>)
    %parallel_loop3A = arith.constant 0 : i32
    %parallel_loop3A_91 = arith.constant 640 : i32
    %parallel_loop3A_92 = arith.constant 1 : i32
    scf.for %parallel_loop3A_129 = %parallel_loop3A to %parallel_loop3A_91 step %parallel_loop3A_92  : i32 {
      %parallel_loop3A_130 = arith.constant 0.000000e+00 : f32
      %parallel_loop3A_131 = vector.broadcast %parallel_loop3A_130 : f32 to vector<16xf32>
      %parallel_loop3A_132 = arith.constant 3 : i32
      %parallel_loop3A_133 = arith.shrsi %parallel_loop3A_129, %parallel_loop3A_132 : i32
      %parallel_loop3A_134 = arith.constant 7 : i32
      %parallel_loop3A_135 = arith.andi %parallel_loop3A_129, %parallel_loop3A_134 : i32
      %parallel_loop3A_136 = arith.constant 16 : i32
      %parallel_loop3A_137 = arith.muli %parallel_loop3A_135, %parallel_loop3A_136 : i32
      %parallel_loop3A_138 = arith.index_cast %parallel_loop3A_133 : i32 to index
      %parallel_loop3A_139 = arith.index_cast %parallel_loop3A_137 : i32 to index
      %parallel_loop3A_140 = tpu.vector_load %arg15[%parallel_loop3A_138, %parallel_loop3A_139] {strides = array<i32>} : memref<80x128xf32, #tpu.memory_space<vmem>>, vector<16xf32>,
      tpu.vector_store %arg15[%parallel_loop3A_138, %parallel_loop3A_139], %parallel_loop3A_131 {strides = array<i32>} : memref<80x128xf32, #tpu.memory_space<vmem>>, vector<16xf32>,
    } {sc.loop_unroll_factor = 8 : i64, sc.parallel_access}
    tpu.wait_dma2 semaphore(%arg16 : memref<!tpu.dma_semaphore, #tpu.memory_space<semaphore_mem>>) src(%arg2 : memref<10240xf32, #tpu.memory_space<hbm>>) dst(%arg9 : memref<10240xf32, #tpu.memory_space<vmem>>)
    tpu.wait_dma2 semaphore(%arg16 : memref<!tpu.dma_semaphore, #tpu.memory_space<semaphore_mem>>) src(%arg3 : memref<10240xf32, #tpu.memory_space<hbm>>) dst(%arg10 : memref<10240xf32, #tpu.memory_space<vmem>>)
    %dma_wait3A = arith.constant 0 : i32
    %dma_wait3A_93 = arith.constant 0 : i32
    %dma_wait3A_94 = tpu.memref_slice %arg4[%min3A_75, %dma_wait3A, %dma_wait3A_93] : memref<2500x2x128xi32, #tpu.memory_space<hbm>> -> memref<79x2x128xi32, #tpu.memory_space<hbm>>
    %dma_wait3A_95 = arith.constant 0 : i32
    %dma_wait3A_96 = arith.constant 0 : i32
    %dma_wait3A_97 = tpu.memref_slice %arg4[%min3A_75, %dma_wait3A_95, %dma_wait3A_96] : memref<2500x2x128xi32, #tpu.memory_space<hbm>> -> memref<79x2x128xi32, #tpu.memory_space<hbm>>
    tpu.wait_dma2 semaphore(%arg16 : memref<!tpu.dma_semaphore, #tpu.memory_space<semaphore_mem>>) src(%dma_wait3A_97 : memref<79x2x128xi32, #tpu.memory_space<hbm>>) dst(%arg11 : memref<79x2x128xi32, #tpu.memory_space<vmem>>)
    %dma_wait3A_98 = arith.constant 0 : i32
    %dma_wait3A_99 = arith.constant 0 : i32
    %dma_wait3A_100 = tpu.memref_slice %arg5[%min3A_75, %dma_wait3A_98, %dma_wait3A_99] : memref<2500x1x128xf32, #tpu.memory_space<hbm>> -> memref<79x1x128xf32, #tpu.memory_space<hbm>>
    %dma_wait3A_101 = arith.constant 0 : i32
    %dma_wait3A_102 = arith.constant 0 : i32
    %dma_wait3A_103 = tpu.memref_slice %arg5[%min3A_75, %dma_wait3A_101, %dma_wait3A_102] : memref<2500x1x128xf32, #tpu.memory_space<hbm>> -> memref<79x1x128xf32, #tpu.memory_space<hbm>>
    tpu.wait_dma2 semaphore(%arg16 : memref<!tpu.dma_semaphore, #tpu.memory_space<semaphore_mem>>) src(%dma_wait3A_103 : memref<79x1x128xf32, #tpu.memory_space<hbm>>) dst(%arg12 : memref<79x1x128xf32, #tpu.memory_space<vmem>>)
    %dma_wait3A_104 = tpu.memref_slice %arg6[%multiple_of3A] : memref<320000xf32, #tpu.memory_space<hbm>> -> memref<10112xf32, #tpu.memory_space<hbm>>
    %dma_wait3A_105 = tpu.memref_slice %arg6[%multiple_of3A] : memref<320000xf32, #tpu.memory_space<hbm>> -> memref<10112xf32, #tpu.memory_space<hbm>>
    tpu.wait_dma2 semaphore(%arg16 : memref<!tpu.dma_semaphore, #tpu.memory_space<semaphore_mem>>) src(%dma_wait3A_105 : memref<10112xf32, #tpu.memory_space<hbm>>) dst(%arg13 : memref<10112xf32, #tpu.memory_space<vmem>>)
    %iota3A = tpu.iota {dimensions = array<i32: 0>} : vector<16xi32>
    %parallel_loop3A_106 = arith.constant 0 : i32
    %parallel_loop3A_107 = arith.constant 632 : i32
    %parallel_loop3A_108 = arith.constant 1 : i32
    scf.for %parallel_loop3A_129 = %parallel_loop3A_106 to %parallel_loop3A_107 step %parallel_loop3A_108  : i32 {
      %parallel_loop3A_130 = arith.constant 16 : i32
      %parallel_loop3A_131 = arith.muli %parallel_loop3A_129, %parallel_loop3A_130 : i32
      %parallel_loop3A_132 = arith.constant 3 : i32
      %parallel_loop3A_133 = arith.shrsi %parallel_loop3A_129, %parallel_loop3A_132 : i32
      %parallel_loop3A_134 = arith.constant 7 : i32
      %parallel_loop3A_135 = arith.andi %parallel_loop3A_129, %parallel_loop3A_134 : i32
      %parallel_loop3A_136 = arith.constant 16 : i32
      %parallel_loop3A_137 = arith.muli %parallel_loop3A_135, %parallel_loop3A_136 : i32
      %parallel_loop3A_138 = arith.constant 0 : i32
      %parallel_loop3A_139 = arith.index_cast %parallel_loop3A_133 : i32 to index
      %parallel_loop3A_140 = arith.index_cast %parallel_loop3A_138 : i32 to index
      %parallel_loop3A_141 = arith.index_cast %parallel_loop3A_137 : i32 to index
      %parallel_loop3A_142 = tpu.vector_load %arg11[%parallel_loop3A_139, %parallel_loop3A_140, %parallel_loop3A_141] {strides = array<i32>} : memref<79x2x128xi32, #tpu.memory_space<vmem>>, vector<16xi32>,
      %parallel_loop3A_143 = arith.constant 1 : i32
      %parallel_loop3A_144 = arith.index_cast %parallel_loop3A_133 : i32 to index
      %parallel_loop3A_145 = arith.index_cast %parallel_loop3A_143 : i32 to index
      %parallel_loop3A_146 = arith.index_cast %parallel_loop3A_137 : i32 to index
      %parallel_loop3A_147 = tpu.vector_load %arg11[%parallel_loop3A_144, %parallel_loop3A_145, %parallel_loop3A_146] {strides = array<i32>} : memref<79x2x128xi32, #tpu.memory_space<vmem>>, vector<16xi32>,
      %parallel_loop3A_148 = tpu.vector_load_idx %arg9[%parallel_loop3A_142] : memref<10240xf32, #tpu.memory_space<vmem>>[vector<16xi32>], vector<16xf32>,
      %parallel_loop3A_149 = tpu.vector_load_idx %arg10[%parallel_loop3A_147] : memref<10240xf32, #tpu.memory_space<vmem>>[vector<16xi32>], vector<16xf32>,
      %parallel_loop3A_150 = arith.constant 0 : i32
      %parallel_loop3A_151 = arith.index_cast %parallel_loop3A_133 : i32 to index
      %parallel_loop3A_152 = arith.index_cast %parallel_loop3A_150 : i32 to index
      %parallel_loop3A_153 = arith.index_cast %parallel_loop3A_137 : i32 to index
      %parallel_loop3A_154 = tpu.vector_load %arg12[%parallel_loop3A_151, %parallel_loop3A_152, %parallel_loop3A_153] {strides = array<i32>} : memref<79x1x128xf32, #tpu.memory_space<vmem>>, vector<16xf32>,
      %parallel_loop3A_155 = arith.constant 1.000000e-07 : f32
      %parallel_loop3A_156 = vector.broadcast %parallel_loop3A_155 : f32 to vector<16xf32>
      %parallel_loop3A_157 = arith.addf %parallel_loop3A_154, %parallel_loop3A_156 : vector<16xf32>
      %parallel_loop3A_158 = arith.mulf %parallel_loop3A_148, %parallel_loop3A_149 : vector<16xf32>
      %parallel_loop3A_159 = arith.constant 1.000000e+00 : f32
      %parallel_loop3A_160 = vector.broadcast %parallel_loop3A_159 : f32 to vector<16xf32>
      %parallel_loop3A_161 = arith.subf %parallel_loop3A_160, %parallel_loop3A_157 : vector<16xf32>
      %parallel_loop3A_162 = arith.mulf %parallel_loop3A_161, %parallel_loop3A_158 : vector<16xf32>
      %parallel_loop3A_163 = arith.addf %parallel_loop3A_157, %parallel_loop3A_162 : vector<16xf32>
      %parallel_loop3A_164 = arith.divf %parallel_loop3A_157, %parallel_loop3A_163 : vector<16xf32>
      %parallel_loop3A_165 = arith.constant 1.600000e+00 : f32
      %parallel_loop3A_166 = vector.broadcast %parallel_loop3A_165 : f32 to vector<16xf32>
      %parallel_loop3A_167 = arith.mulf %parallel_loop3A_164, %parallel_loop3A_166 : vector<16xf32>
      %parallel_loop3A_168 = arith.constant -5.000000e-01 : f32
      %parallel_loop3A_169 = vector.broadcast %parallel_loop3A_168 : f32 to vector<16xf32>
      %parallel_loop3A_170 = arith.addf %parallel_loop3A_167, %parallel_loop3A_169 : vector<16xf32>
      %parallel_loop3A_171 = arith.constant 0.000000e+00 : f32
      %parallel_loop3A_172 = arith.constant 1.000000e+00 : f32
      %parallel_loop3A_173 = vector.broadcast %parallel_loop3A_171 : f32 to vector<16xf32>
      %parallel_loop3A_174 = arith.maximumf %parallel_loop3A_173, %parallel_loop3A_170 : vector<16xf32>
      %parallel_loop3A_175 = vector.broadcast %parallel_loop3A_172 : f32 to vector<16xf32>
      %parallel_loop3A_176 = arith.minimumf %parallel_loop3A_175, %parallel_loop3A_174 : vector<16xf32>
      %parallel_loop3A_177 = arith.index_cast %parallel_loop3A_131 : i32 to index
      %parallel_loop3A_178 = tpu.vector_load %arg13[%parallel_loop3A_177] {strides = array<i32>} : memref<10112xf32, #tpu.memory_space<vmem>>, vector<16xf32>,
      %parallel_loop3A_179 = arith.mulf %parallel_loop3A_178, %parallel_loop3A_176 : vector<16xf32>
      %parallel_loop3A_180 = arith.index_cast %parallel_loop3A_131 : i32 to index
      %parallel_loop3A_181 = tpu.vector_load %arg14[%parallel_loop3A_180] {strides = array<i32>} : memref<10112xf32, #tpu.memory_space<vmem>>, vector<16xf32>,
      tpu.vector_store %arg14[%parallel_loop3A_180], %parallel_loop3A_179 {strides = array<i32>} : memref<10112xf32, #tpu.memory_space<vmem>>, vector<16xf32>,
      %parallel_loop3A_182 = arith.constant 16 : i32
      %parallel_loop3A_183 = arith.muli %parallel_loop3A_129, %parallel_loop3A_182 : i32
      %parallel_loop3A_184 = arith.addi %multiple_of3A, %parallel_loop3A_183 : i32
      %parallel_loop3A_185 = vector.broadcast %parallel_loop3A_184 : i32 to vector<16xi32>
      %parallel_loop3A_186 = arith.addi %parallel_loop3A_185, %iota3A : vector<16xi32>
      %parallel_loop3A_187 = vector.broadcast %mul3A_20 : i32 to vector<16xi32>
      %parallel_loop3A_188 = arith.cmpi sge, %parallel_loop3A_186, %parallel_loop3A_187 : vector<16xi32>
      %parallel_loop3A_189 = vector.broadcast %mul3A_50 : i32 to vector<16xi32>
      %parallel_loop3A_190 = arith.cmpi slt, %parallel_loop3A_186, %parallel_loop3A_189 : vector<16xi32>
      %parallel_loop3A_191 = arith.andi %parallel_loop3A_188, %parallel_loop3A_190 : vector<16xi1>
      %parallel_loop3A_192 = arith.constant 7 : i32
      %parallel_loop3A_193 = vector.broadcast %parallel_loop3A_192 : i32 to vector<16xi32>
      %parallel_loop3A_194 = arith.shrui %parallel_loop3A_142, %parallel_loop3A_193 : vector<16xi32>
      %parallel_loop3A_195 = arith.constant 127 : i32
      %parallel_loop3A_196 = vector.broadcast %parallel_loop3A_195 : i32 to vector<16xi32>
      %parallel_loop3A_197 = arith.andi %parallel_loop3A_142, %parallel_loop3A_196 : vector<16xi32>
      tpu.vector_store_idx %arg15[%parallel_loop3A_194, %parallel_loop3A_197], %parallel_loop3A_179 masked %parallel_loop3A_191 {add = true} : memref<80x128xf32, #tpu.memory_space<vmem>>[vector<16xi32>, vector<16xi32>], vector<16xf32>, vector<16xi1>
    } {sc.loop_unroll_factor = 8 : i64, sc.parallel_access}
    %dma_start3A_109 = tpu.memref_slice %arg7[%multiple_of3A] : memref<320000xf32, #tpu.memory_space<hbm>> -> memref<10112xf32, #tpu.memory_space<hbm>>
    %dma_start3A_110 = tpu.memref_slice %arg7[%multiple_of3A] : memref<320000xf32, #tpu.memory_space<hbm>> -> memref<10112xf32, #tpu.memory_space<hbm>>
    tpu.enqueue_dma source(%arg14 : memref<10112xf32, #tpu.memory_space<vmem>>) target(%dma_start3A_110 : memref<10112xf32, #tpu.memory_space<hbm>>) target_semaphore(%arg16 : memref<!tpu.dma_semaphore, #tpu.memory_space<semaphore_mem>>)
    %dma_start3A_111 = arith.constant 0 : i32
    %dma_start3A_112 = arith.constant 0 : i32
    %dma_start3A_113 = tpu.memref_slice %arg8[%add3A, %dma_start3A_111, %dma_start3A_112] : memref<32x80x128xf32, #tpu.memory_space<hbm>> -> memref<1x80x128xf32, #tpu.memory_space<hbm>>
    %dma_start3A_114 = tpu.memref_squeeze %dma_start3A_113 : memref<1x80x128xf32, #tpu.memory_space<hbm>> -> memref<80x128xf32, #tpu.memory_space<hbm>>
    %dma_start3A_115 = arith.constant 0 : i32
    %dma_start3A_116 = arith.constant 0 : i32
    %dma_start3A_117 = tpu.memref_slice %arg8[%add3A, %dma_start3A_115, %dma_start3A_116] : memref<32x80x128xf32, #tpu.memory_space<hbm>> -> memref<1x80x128xf32, #tpu.memory_space<hbm>>
    %dma_start3A_118 = tpu.memref_squeeze %dma_start3A_117 : memref<1x80x128xf32, #tpu.memory_space<hbm>> -> memref<80x128xf32, #tpu.memory_space<hbm>>
    tpu.enqueue_dma source(%arg15 : memref<80x128xf32, #tpu.memory_space<vmem>>) target(%dma_start3A_118 : memref<80x128xf32, #tpu.memory_space<hbm>>) target_semaphore(%arg16 : memref<!tpu.dma_semaphore, #tpu.memory_space<semaphore_mem>>)
    %dma_wait3A_119 = tpu.memref_slice %arg7[%multiple_of3A] : memref<320000xf32, #tpu.memory_space<hbm>> -> memref<10112xf32, #tpu.memory_space<hbm>>
    %dma_wait3A_120 = tpu.memref_slice %arg7[%multiple_of3A] : memref<320000xf32, #tpu.memory_space<hbm>> -> memref<10112xf32, #tpu.memory_space<hbm>>
    tpu.wait_dma2 semaphore(%arg16 : memref<!tpu.dma_semaphore, #tpu.memory_space<semaphore_mem>>) src(%arg14 : memref<10112xf32, #tpu.memory_space<vmem>>) dst(%dma_wait3A_120 : memref<10112xf32, #tpu.memory_space<hbm>>)
    %dma_wait3A_121 = arith.constant 0 : i32
    %dma_wait3A_122 = arith.constant 0 : i32
    %dma_wait3A_123 = tpu.memref_slice %arg8[%add3A, %dma_wait3A_121, %dma_wait3A_122] : memref<32x80x128xf32, #tpu.memory_space<hbm>> -> memref<1x80x128xf32, #tpu.memory_space<hbm>>
    %dma_wait3A_124 = tpu.memref_squeeze %dma_wait3A_123 : memref<1x80x128xf32, #tpu.memory_space<hbm>> -> memref<80x128xf32, #tpu.memory_space<hbm>>
    %dma_wait3A_125 = arith.constant 0 : i32
    %dma_wait3A_126 = arith.constant 0 : i32
    %dma_wait3A_127 = tpu.memref_slice %arg8[%add3A, %dma_wait3A_125, %dma_wait3A_126] : memref<32x80x128xf32, #tpu.memory_space<hbm>> -> memref<1x80x128xf32, #tpu.memory_space<hbm>>
    %dma_wait3A_128 = tpu.memref_squeeze %dma_wait3A_127 : memref<1x80x128xf32, #tpu.memory_space<hbm>> -> memref<80x128xf32, #tpu.memory_space<hbm>>
    tpu.wait_dma2 semaphore(%arg16 : memref<!tpu.dma_semaphore, #tpu.memory_space<semaphore_mem>>) src(%arg15 : memref<80x128xf32, #tpu.memory_space<vmem>>) dst(%dma_wait3A_128 : memref<80x128xf32, #tpu.memory_space<hbm>>)
    return
  }
}

#map = affine_map<(d0, d1) -> (0)>
#map1 = affine_map<(d0, d1) -> (0, 0, 0)>
module attributes {stable_mosaic.version = 14 : i64} {
  func.func @_edge2_body(%arg0: i32, %arg1: i32, %arg2: memref<10240xf32, #tpu.memory_space<hbm>>, %arg3: memref<2500x2x128xi32, #tpu.memory_space<hbm>>, %arg4: memref<320000xf32, #tpu.memory_space<hbm>>, %arg5: memref<320000xf32, #tpu.memory_space<hbm>>, %arg6: memref<10240xf32, #tpu.memory_space<vmem>>, %arg7: memref<79x2x128xi32, #tpu.memory_space<vmem>>, %arg8: memref<10112xf32, #tpu.memory_space<vmem>>, %arg9: memref<10112xf32, #tpu.memory_space<vmem>>, %arg10: memref<!tpu.dma_semaphore, #tpu.memory_space<semaphore_mem>>) attributes {dimension_semantics = [#tpu.dimension_semantics<core_parallel>, #tpu.dimension_semantics<subcore_parallel>], iteration_bounds = array<i64: 2, 16>, scalar_prefetch = 0 : i64, scratch_operands = 5 : i64, tpu.core_type = #tpu.core_type<sc_vector_subcore>, window_params = [{transform_indices = #map}, {transform_indices = #map1}, {transform_indices = #map}, {transform_indices = #map}]} {
    %mul3A = arith.constant 2 : i32
    %mul3A_0 = arith.muli %arg1, %mul3A : i32
    %add3A = arith.addi %mul3A_0, %arg0 : i32
    %mul3A_1 = arith.constant 2500 : i32
    %mul3A_2 = arith.muli %add3A, %mul3A_1 : i32
    %jit3A = arith.constant 32 : i32
    %div3A = arith.divsi %mul3A_2, %jit3A : i32
    %sign3A = arith.constant 0 : i32
    %sign3A_3 = arith.cmpi sgt, %mul3A_2, %sign3A : i32
    %sign3A_4 = arith.extui %sign3A_3 : i1 to i32
    %sign3A_5 = arith.constant 0 : i32
    %sign3A_6 = arith.cmpi slt, %mul3A_2, %sign3A_5 : i32
    %sign3A_7 = arith.extui %sign3A_6 : i1 to i32
    %sign3A_8 = arith.subi %sign3A_4, %sign3A_7 : i32
    %sign3A_9 = arith.constant 0 : i32
    %sign3A_10 = arith.cmpi sgt, %jit3A, %sign3A_9 : i32
    %sign3A_11 = arith.extui %sign3A_10 : i1 to i32
    %sign3A_12 = arith.constant 0 : i32
    %sign3A_13 = arith.cmpi slt, %jit3A, %sign3A_12 : i32
    %sign3A_14 = arith.extui %sign3A_13 : i1 to i32
    %sign3A_15 = arith.subi %sign3A_11, %sign3A_14 : i32
    %ne3A = arith.cmpi ne, %sign3A_8, %sign3A_15 : i32
    %rem3A = arith.remsi %mul3A_2, %jit3A : i32
    %ne3A_16 = arith.constant 0 : i32
    %ne3A_17 = arith.cmpi ne, %rem3A, %ne3A_16 : i32
    %and3A = arith.andi %ne3A, %ne3A_17 : i1
    %sub3A = arith.constant 1 : i32
    %sub3A_18 = arith.subi %div3A, %sub3A : i32
    %select_n3A = arith.select %and3A, %sub3A_18, %div3A : i32
    %mul3A_19 = arith.constant 128 : i32
    %mul3A_20 = arith.muli %select_n3A, %mul3A_19 : i32
    %jit3A_21 = arith.constant 128 : i32
    %div3A_22 = arith.divsi %mul3A_20, %jit3A_21 : i32
    %sign3A_23 = arith.constant 0 : i32
    %sign3A_24 = arith.cmpi sgt, %mul3A_20, %sign3A_23 : i32
    %sign3A_25 = arith.extui %sign3A_24 : i1 to i32
    %sign3A_26 = arith.constant 0 : i32
    %sign3A_27 = arith.cmpi slt, %mul3A_20, %sign3A_26 : i32
    %sign3A_28 = arith.extui %sign3A_27 : i1 to i32
    %sign3A_29 = arith.subi %sign3A_25, %sign3A_28 : i32
    %sign3A_30 = arith.constant 0 : i32
    %sign3A_31 = arith.cmpi sgt, %jit3A_21, %sign3A_30 : i32
    %sign3A_32 = arith.extui %sign3A_31 : i1 to i32
    %sign3A_33 = arith.constant 0 : i32
    %sign3A_34 = arith.cmpi slt, %jit3A_21, %sign3A_33 : i32
    %sign3A_35 = arith.extui %sign3A_34 : i1 to i32
    %sign3A_36 = arith.subi %sign3A_32, %sign3A_35 : i32
    %ne3A_37 = arith.cmpi ne, %sign3A_29, %sign3A_36 : i32
    %rem3A_38 = arith.remsi %mul3A_20, %jit3A_21 : i32
    %ne3A_39 = arith.constant 0 : i32
    %ne3A_40 = arith.cmpi ne, %rem3A_38, %ne3A_39 : i32
    %and3A_41 = arith.andi %ne3A_37, %ne3A_40 : i1
    %sub3A_42 = arith.constant 1 : i32
    %sub3A_43 = arith.subi %div3A_22, %sub3A_42 : i32
    %select_n3A_44 = arith.select %and3A_41, %sub3A_43, %div3A_22 : i32
    %min3A = arith.constant 2421 : i32
    %min3A_45 = arith.minsi %select_n3A_44, %min3A : i32
    %mul3A_46 = arith.constant 128 : i32
    %mul3A_47 = arith.muli %min3A_45, %mul3A_46 : i32
    %multiple_of3A = tpu.assume_multiple %mul3A_47, 128 : i32
    tpu.enqueue_dma source(%arg2 : memref<10240xf32, #tpu.memory_space<hbm>>) target(%arg6 : memref<10240xf32, #tpu.memory_space<vmem>>) target_semaphore(%arg10 : memref<!tpu.dma_semaphore, #tpu.memory_space<semaphore_mem>>)
    %dma_start3A = arith.constant 0 : i32
    %dma_start3A_48 = arith.constant 0 : i32
    %dma_start3A_49 = tpu.memref_slice %arg3[%min3A_45, %dma_start3A, %dma_start3A_48] : memref<2500x2x128xi32, #tpu.memory_space<hbm>> -> memref<79x2x128xi32, #tpu.memory_space<hbm>>
    %dma_start3A_50 = arith.constant 0 : i32
    %dma_start3A_51 = arith.constant 0 : i32
    %dma_start3A_52 = tpu.memref_slice %arg3[%min3A_45, %dma_start3A_50, %dma_start3A_51] : memref<2500x2x128xi32, #tpu.memory_space<hbm>> -> memref<79x2x128xi32, #tpu.memory_space<hbm>>
    tpu.enqueue_dma source(%dma_start3A_52 : memref<79x2x128xi32, #tpu.memory_space<hbm>>) target(%arg7 : memref<79x2x128xi32, #tpu.memory_space<vmem>>) target_semaphore(%arg10 : memref<!tpu.dma_semaphore, #tpu.memory_space<semaphore_mem>>)
    %dma_start3A_53 = tpu.memref_slice %arg4[%multiple_of3A] : memref<320000xf32, #tpu.memory_space<hbm>> -> memref<10112xf32, #tpu.memory_space<hbm>>
    %dma_start3A_54 = tpu.memref_slice %arg4[%multiple_of3A] : memref<320000xf32, #tpu.memory_space<hbm>> -> memref<10112xf32, #tpu.memory_space<hbm>>
    tpu.enqueue_dma source(%dma_start3A_54 : memref<10112xf32, #tpu.memory_space<hbm>>) target(%arg8 : memref<10112xf32, #tpu.memory_space<vmem>>) target_semaphore(%arg10 : memref<!tpu.dma_semaphore, #tpu.memory_space<semaphore_mem>>)
    tpu.wait_dma2 semaphore(%arg10 : memref<!tpu.dma_semaphore, #tpu.memory_space<semaphore_mem>>) src(%arg2 : memref<10240xf32, #tpu.memory_space<hbm>>) dst(%arg6 : memref<10240xf32, #tpu.memory_space<vmem>>)
    %dma_wait3A = arith.constant 0 : i32
    %dma_wait3A_55 = arith.constant 0 : i32
    %dma_wait3A_56 = tpu.memref_slice %arg3[%min3A_45, %dma_wait3A, %dma_wait3A_55] : memref<2500x2x128xi32, #tpu.memory_space<hbm>> -> memref<79x2x128xi32, #tpu.memory_space<hbm>>
    %dma_wait3A_57 = arith.constant 0 : i32
    %dma_wait3A_58 = arith.constant 0 : i32
    %dma_wait3A_59 = tpu.memref_slice %arg3[%min3A_45, %dma_wait3A_57, %dma_wait3A_58] : memref<2500x2x128xi32, #tpu.memory_space<hbm>> -> memref<79x2x128xi32, #tpu.memory_space<hbm>>
    tpu.wait_dma2 semaphore(%arg10 : memref<!tpu.dma_semaphore, #tpu.memory_space<semaphore_mem>>) src(%dma_wait3A_59 : memref<79x2x128xi32, #tpu.memory_space<hbm>>) dst(%arg7 : memref<79x2x128xi32, #tpu.memory_space<vmem>>)
    %dma_wait3A_60 = tpu.memref_slice %arg4[%multiple_of3A] : memref<320000xf32, #tpu.memory_space<hbm>> -> memref<10112xf32, #tpu.memory_space<hbm>>
    %dma_wait3A_61 = tpu.memref_slice %arg4[%multiple_of3A] : memref<320000xf32, #tpu.memory_space<hbm>> -> memref<10112xf32, #tpu.memory_space<hbm>>
    tpu.wait_dma2 semaphore(%arg10 : memref<!tpu.dma_semaphore, #tpu.memory_space<semaphore_mem>>) src(%dma_wait3A_61 : memref<10112xf32, #tpu.memory_space<hbm>>) dst(%arg8 : memref<10112xf32, #tpu.memory_space<vmem>>)
    %parallel_loop3A = arith.constant 0 : i32
    %parallel_loop3A_62 = arith.constant 632 : i32
    %parallel_loop3A_63 = arith.constant 1 : i32
    scf.for %parallel_loop3A_64 = %parallel_loop3A to %parallel_loop3A_62 step %parallel_loop3A_63  : i32 {
      %parallel_loop3A_65 = arith.constant 16 : i32
      %parallel_loop3A_66 = arith.muli %parallel_loop3A_64, %parallel_loop3A_65 : i32
      %parallel_loop3A_67 = arith.constant 3 : i32
      %parallel_loop3A_68 = arith.shrsi %parallel_loop3A_64, %parallel_loop3A_67 : i32
      %parallel_loop3A_69 = arith.constant 7 : i32
      %parallel_loop3A_70 = arith.andi %parallel_loop3A_64, %parallel_loop3A_69 : i32
      %parallel_loop3A_71 = arith.constant 16 : i32
      %parallel_loop3A_72 = arith.muli %parallel_loop3A_70, %parallel_loop3A_71 : i32
      %parallel_loop3A_73 = arith.constant 0 : i32
      %parallel_loop3A_74 = arith.index_cast %parallel_loop3A_68 : i32 to index
      %parallel_loop3A_75 = arith.index_cast %parallel_loop3A_73 : i32 to index
      %parallel_loop3A_76 = arith.index_cast %parallel_loop3A_72 : i32 to index
      %parallel_loop3A_77 = tpu.vector_load %arg7[%parallel_loop3A_74, %parallel_loop3A_75, %parallel_loop3A_76] {strides = array<i32>} : memref<79x2x128xi32, #tpu.memory_space<vmem>>, vector<16xi32>,
      %parallel_loop3A_78 = tpu.vector_load_idx %arg6[%parallel_loop3A_77] : memref<10240xf32, #tpu.memory_space<vmem>>[vector<16xi32>], vector<16xf32>,
      %parallel_loop3A_79 = arith.constant 1 : i32
      %parallel_loop3A_80 = arith.index_cast %parallel_loop3A_68 : i32 to index
      %parallel_loop3A_81 = arith.index_cast %parallel_loop3A_79 : i32 to index
      %parallel_loop3A_82 = arith.index_cast %parallel_loop3A_72 : i32 to index
      %parallel_loop3A_83 = tpu.vector_load %arg7[%parallel_loop3A_80, %parallel_loop3A_81, %parallel_loop3A_82] {strides = array<i32>} : memref<79x2x128xi32, #tpu.memory_space<vmem>>, vector<16xi32>,
      %parallel_loop3A_84 = tpu.vector_load_idx %arg6[%parallel_loop3A_83] : memref<10240xf32, #tpu.memory_space<vmem>>[vector<16xi32>], vector<16xf32>,
      %parallel_loop3A_85 = arith.index_cast %parallel_loop3A_66 : i32 to index
      %parallel_loop3A_86 = tpu.vector_load %arg8[%parallel_loop3A_85] {strides = array<i32>} : memref<10112xf32, #tpu.memory_space<vmem>>, vector<16xf32>,
      %parallel_loop3A_87 = arith.mulf %parallel_loop3A_86, %parallel_loop3A_78 : vector<16xf32>
      %parallel_loop3A_88 = arith.mulf %parallel_loop3A_87, %parallel_loop3A_84 : vector<16xf32>
      %parallel_loop3A_89 = arith.index_cast %parallel_loop3A_66 : i32 to index
      %parallel_loop3A_90 = tpu.vector_load %arg9[%parallel_loop3A_89] {strides = array<i32>} : memref<10112xf32, #tpu.memory_space<vmem>>, vector<16xf32>,
      tpu.vector_store %arg9[%parallel_loop3A_89], %parallel_loop3A_88 {strides = array<i32>} : memref<10112xf32, #tpu.memory_space<vmem>>, vector<16xf32>,
    } {sc.loop_unroll_factor = 8 : i64, sc.parallel_access}
    "tpu.region"() ({
      %run_scoped3A = tpu.sem_alloc : memref<!tpu.dma_semaphore, #tpu.memory_space<semaphore_mem>>
      %dma_start3A_64 = tpu.memref_slice %arg5[%multiple_of3A] : memref<320000xf32, #tpu.memory_space<hbm>> -> memref<10112xf32, #tpu.memory_space<hbm>>
      %dma_start3A_65 = tpu.memref_slice %arg5[%multiple_of3A] : memref<320000xf32, #tpu.memory_space<hbm>> -> memref<10112xf32, #tpu.memory_space<hbm>>
      tpu.enqueue_dma source(%arg9 : memref<10112xf32, #tpu.memory_space<vmem>>) target(%dma_start3A_65 : memref<10112xf32, #tpu.memory_space<hbm>>) target_semaphore(%run_scoped3A : memref<!tpu.dma_semaphore, #tpu.memory_space<semaphore_mem>>)
      %dma_wait3A_66 = tpu.memref_slice %arg5[%multiple_of3A] : memref<320000xf32, #tpu.memory_space<hbm>> -> memref<10112xf32, #tpu.memory_space<hbm>>
      %dma_wait3A_67 = tpu.memref_slice %arg5[%multiple_of3A] : memref<320000xf32, #tpu.memory_space<hbm>> -> memref<10112xf32, #tpu.memory_space<hbm>>
      tpu.wait_dma2 semaphore(%run_scoped3A : memref<!tpu.dma_semaphore, #tpu.memory_space<semaphore_mem>>) src(%arg9 : memref<10112xf32, #tpu.memory_space<vmem>>) dst(%dma_wait3A_67 : memref<10112xf32, #tpu.memory_space<hbm>>)
      tpu.yield
    }) : () -> ()
    return
  }
}

module attributes {stable_mosaic.version = 14 : i64} {
  func.func @_norm_body(%arg0: memref<32x80x128xf32, #tpu.memory_space<vmem>>, %arg1: memref<80x128xf32, #tpu.memory_space<vmem>>) attributes {dimension_semantics = [], scalar_prefetch = 0 : i64, scratch_operands = 0 : i64, tpu.core_type = #tpu.core_type<tc>} {
    %get3A = arith.constant 0 : index
    %get3A_0 = arith.constant 0 : index
    %get3A_1 = arith.constant 0 : index
    %get3A_2 = vector.load %arg0[%get3A, %get3A_0, %get3A_1] : memref<32x80x128xf32, #tpu.memory_space<vmem>>, vector<32x80x128xf32>
    %reduce_sum3A = arith.constant dense<0.000000e+00> : vector<80x128xf32>
    %reduce_sum3A_3 = vector.multi_reduction <add>, %get3A_2, %reduce_sum3A [0] : vector<32x80x128xf32> to vector<80x128xf32>
    %add3A = arith.constant 1.000000e-10 : f32
    %add3A_4 = vector.broadcast %add3A : f32 to vector<80x128xf32>
    %add3A_5 = arith.addf %reduce_sum3A_3, %add3A_4 : vector<80x128xf32>
    %rsqrt3A = math.rsqrt %add3A_5 : vector<80x128xf32>
    %swap3A = arith.constant 0 : index
    %swap3A_6 = arith.constant 0 : index
    %swap3A_7 = vector.load %arg1[%swap3A, %swap3A_6] : memref<80x128xf32, #tpu.memory_space<vmem>>, vector<80x128xf32>
    tpu.vector_store %arg1[%swap3A, %swap3A_6], %rsqrt3A {strides = array<i32>} : memref<80x128xf32, #tpu.memory_space<vmem>>, vector<80x128xf32>,
    return
  }
}

module attributes {stable_mosaic.version = 14 : i64} {
  func.func @_prep_body(%arg0: i32, %arg1: memref<5120x128xf32, #tpu.memory_space<vmem>>, %arg2: memref<128x32xf32, #tpu.memory_space<vmem>>, %arg3: memref<32x1xf32, #tpu.memory_space<vmem>>, %arg4: memref<32x1xf32, #tpu.memory_space<vmem>>, %arg5: memref<1x1xf32, #tpu.memory_space<vmem>>, %arg6: memref<40x128xf32, #tpu.memory_space<vmem>>, %arg7: memref<40x128xf32, #tpu.memory_space<vmem>>) attributes {dimension_semantics = [#tpu.dimension_semantics<arbitrary>], iteration_bounds = array<i64: 2>, scalar_prefetch = 0 : i64, scratch_operands = 0 : i64, tpu.core_type = #tpu.core_type<tc>, window_params = [{transform_indices = @transform_0, window_bounds = array<i64: 5120, 128>}, {pipeline_mode = #tpu.pipeline_mode<synchronous>, transform_indices = @transform_1, window_bounds = array<i64: 128, 32>}, {pipeline_mode = #tpu.pipeline_mode<synchronous>, transform_indices = @transform_2, window_bounds = array<i64: 32, 1>}, {pipeline_mode = #tpu.pipeline_mode<synchronous>, transform_indices = @transform_3, window_bounds = array<i64: 32, 1>}, {pipeline_mode = #tpu.pipeline_mode<synchronous>, transform_indices = @transform_4, window_bounds = array<i64: 1, 1>}, {transform_indices = @transform_5, window_bounds = array<i64: 40, 128>}, {transform_indices = @transform_6, window_bounds = array<i64: 40, 128>}]} {
    %get3A = arith.constant 0 : index
    %get3A_0 = arith.constant 0 : index
    %get3A_1 = vector.load %arg5[%get3A, %get3A_0] : memref<1x1xf32, #tpu.memory_space<vmem>>, vector<1x1xf32>
    %get3A_2 = vector.extract %get3A_1[0, 0] : f32 from vector<1x1xf32>
    %get3A_3 = arith.constant 0 : index
    %get3A_4 = arith.constant 0 : index
    %get3A_5 = vector.load %arg1[%get3A_3, %get3A_4] : memref<5120x128xf32, #tpu.memory_space<vmem>>, vector<5120x128xf32>
    %get3A_6 = arith.constant 0 : index
    %get3A_7 = arith.constant 0 : index
    %get3A_8 = vector.load %arg2[%get3A_6, %get3A_7] : memref<128x32xf32, #tpu.memory_space<vmem>>, vector<128x32xf32>
    %dot_general3A = arith.constant dense<0.000000e+00> : vector<32x5120xf32>
    %dot_general3A_9 = tpu.matmul %get3A_8, %get3A_5, %dot_general3A {dimension_numbers = #tpu.dot_dimension_numbers<[0], [1], [1], [0], [0, 1, 1, 0], [], []>, transpose_lhs_hint = false} : vector<128x32xf32>, vector<5120x128xf32>, vector<32x5120xf32> -> vector<32x5120xf32>
    %get3A_10 = arith.constant 0 : index
    %get3A_11 = arith.constant 0 : index
    %get3A_12 = vector.load %arg3[%get3A_10, %get3A_11] : memref<32x1xf32, #tpu.memory_space<vmem>>, vector<32x1xf32>
    %add3A = vector.broadcast %get3A_12 : vector<32x1xf32> to vector<32x5120xf32>
    %add3A_13 = arith.addf %dot_general3A_9, %add3A : vector<32x5120xf32>
    %max3A = arith.constant 0.000000e+00 : f32
    %max3A_14 = vector.broadcast %max3A : f32 to vector<32x5120xf32>
    %max3A_15 = arith.maximumf %add3A_13, %max3A_14 : vector<32x5120xf32>
    %get3A_16 = arith.constant 0 : index
    %get3A_17 = arith.constant 0 : index
    %get3A_18 = vector.load %arg4[%get3A_16, %get3A_17] : memref<32x1xf32, #tpu.memory_space<vmem>>, vector<32x1xf32>
    %slice3A = vector.extract_strided_slice %get3A_18 {offsets = [0, 0], sizes = [16, 1], strides = [1, 1]} : vector<32x1xf32> to vector<16x1xf32>
    %slice3A_19 = vector.extract_strided_slice %max3A_15 {offsets = [0, 0], sizes = [16, 5120], strides = [1, 1]} : vector<32x5120xf32> to vector<16x5120xf32>
    %dot_general3A_20 = arith.constant dense<0.000000e+00> : vector<1x5120xf32>
    %dot_general3A_21 = tpu.matmul %slice3A, %slice3A_19, %dot_general3A_20 {dimension_numbers = #tpu.dot_dimension_numbers<[0], [0], [1], [1], [0, 1, 1, 1], [], []>, transpose_lhs_hint = false} : vector<16x1xf32>, vector<16x5120xf32>, vector<1x5120xf32> -> vector<1x5120xf32>
    %slice3A_22 = vector.extract_strided_slice %get3A_18 {offsets = [16, 0], sizes = [16, 1], strides = [1, 1]} : vector<32x1xf32> to vector<16x1xf32>
    %slice3A_23 = vector.extract_strided_slice %max3A_15 {offsets = [16, 0], sizes = [16, 5120], strides = [1, 1]} : vector<32x5120xf32> to vector<16x5120xf32>
    %dot_general3A_24 = arith.constant dense<0.000000e+00> : vector<1x5120xf32>
    %dot_general3A_25 = tpu.matmul %slice3A_22, %slice3A_23, %dot_general3A_24 {dimension_numbers = #tpu.dot_dimension_numbers<[0], [0], [1], [1], [0, 1, 1, 1], [], []>, transpose_lhs_hint = false} : vector<16x1xf32>, vector<16x5120xf32>, vector<1x5120xf32> -> vector<1x5120xf32>
    %mul3A = arith.constant 5.000000e-01 : f32
    %mul3A_26 = arith.mulf %mul3A, %get3A_2 : f32
    %add3A_27 = vector.broadcast %mul3A_26 : f32 to vector<1x5120xf32>
    %add3A_28 = arith.addf %dot_general3A_21, %add3A_27 : vector<1x5120xf32>
    %neg3A = arith.constant 0.000000e+00 : f32
    %neg3A_29 = vector.broadcast %neg3A : f32 to vector<1x5120xf32>
    %neg3A_30 = arith.subf %neg3A_29, %add3A_28 : vector<1x5120xf32>
    %exp3A = math.exp %neg3A_30 : vector<1x5120xf32>
    %reshape3A = vector.shape_cast %exp3A : vector<1x5120xf32> to vector<40x128xf32>
    %swap3A = arith.constant 0 : index
    %swap3A_31 = arith.constant 0 : index
    %swap3A_32 = vector.load %arg6[%swap3A, %swap3A_31] : memref<40x128xf32, #tpu.memory_space<vmem>>, vector<40x128xf32>
    tpu.vector_store %arg6[%swap3A, %swap3A_31], %reshape3A {strides = array<i32>} : memref<40x128xf32, #tpu.memory_space<vmem>>, vector<40x128xf32>,
    %mul3A_33 = arith.constant 5.000000e-01 : f32
    %mul3A_34 = arith.mulf %mul3A_33, %get3A_2 : f32
    %add3A_35 = vector.broadcast %mul3A_34 : f32 to vector<1x5120xf32>
    %add3A_36 = arith.addf %dot_general3A_25, %add3A_35 : vector<1x5120xf32>
    %neg3A_37 = arith.constant 0.000000e+00 : f32
    %neg3A_38 = vector.broadcast %neg3A_37 : f32 to vector<1x5120xf32>
    %neg3A_39 = arith.subf %neg3A_38, %add3A_36 : vector<1x5120xf32>
    %exp3A_40 = math.exp %neg3A_39 : vector<1x5120xf32>
    %reshape3A_41 = vector.shape_cast %exp3A_40 : vector<1x5120xf32> to vector<40x128xf32>
    %swap3A_42 = arith.constant 0 : index
    %swap3A_43 = arith.constant 0 : index
    %swap3A_44 = vector.load %arg7[%swap3A_42, %swap3A_43] : memref<40x128xf32, #tpu.memory_space<vmem>>, vector<40x128xf32>
    tpu.vector_store %arg7[%swap3A_42, %swap3A_43], %reshape3A_41 {strides = array<i32>} : memref<40x128xf32, #tpu.memory_space<vmem>>, vector<40x128xf32>,
    return
  }
  func.func @transform_0(%arg0: i32) -> (i32, i32) {
    %c0_i32 = arith.constant 0 : i32
    %c0_i32_0 = arith.constant 0 : i32
    return %arg0, %c0_i32 : i32, i32
  }
  func.func @transform_1(%arg0: i32) -> (i32, i32) {
    %c0_i32 = arith.constant 0 : i32
    %c0_i32_0 = arith.constant 0 : i32
    %c0_i32_1 = arith.constant 0 : i32
    return %c0_i32, %c0_i32_0 : i32, i32
  }
  func.func @transform_2(%arg0: i32) -> (i32, i32) {
    %c0_i32 = arith.constant 0 : i32
    %c0_i32_0 = arith.constant 0 : i32
    %c0_i32_1 = arith.constant 0 : i32
    return %c0_i32, %c0_i32_0 : i32, i32
  }
  func.func @transform_3(%arg0: i32) -> (i32, i32) {
    %c0_i32 = arith.constant 0 : i32
    %c0_i32_0 = arith.constant 0 : i32
    %c0_i32_1 = arith.constant 0 : i32
    return %c0_i32, %c0_i32_0 : i32, i32
  }
  func.func @transform_4(%arg0: i32) -> (i32, i32) {
    %c0_i32 = arith.constant 0 : i32
    %c0_i32_0 = arith.constant 0 : i32
    %c0_i32_1 = arith.constant 0 : i32
    return %c0_i32, %c0_i32_0 : i32, i32
  }
  func.func @transform_5(%arg0: i32) -> (i32, i32) {
    %c0_i32 = arith.constant 0 : i32
    %c0_i32_0 = arith.constant 0 : i32
    return %arg0, %c0_i32 : i32, i32
  }
  func.func @transform_6(%arg0: i32) -> (i32, i32) {
    %c0_i32 = arith.constant 0 : i32
    %c0_i32_0 = arith.constant 0 : i32
    return %arg0, %c0_i32 : i32, i32
  }
}

</mosaic_0001>

<sc_bundles>
// kernel: kernel.6.cloned.1.call-start
scs
__scs_entry_jumppad:
0x0: {  	(pc) =	sbr.rel $0x88, $3  }
0x1: {  	(tag) =	ssettag $0x0;
	lr =	simm.s32 $0x1  }
0x2: {  	[smem:$0x3F97] =	sst lr;
	_ =	strace $0xD0000000  }
0x3: {  	_ = 	snop  }
0x4: {  	_ = 	snop  }
0x5: {  	_ = 	snop  }
0x6: {  	_ = 	snop  }
0x7: {  	_ = 	snop  }
__scs_overlays_trampoline_lowered:
0x8: {  	[smem:$0x3FA6] =	sst s0  }
0x9: {  	[smem:$0x3FA7] =	sst s1  }
0xa: {  	[smem:$0x3FA8] =	sst s2  }
0xb: {  	[smem:$0x3FA9] =	sst s3  }
0xc: {  	[smem:$0x3FAA] =	sst s4  }
0xd: {  	[smem:$0x3FAB] =	sst s5  }
0xe: {  	[smem:$0x3FAC] =	sst s6  }
0xf: {  	[smem:$0x3FAD] =	sst s7  }
0x10: {  	[smem:$0x3FAE] =	sst s8  }
0x11: {  	[smem:$0x3FAF] =	sst s9;
	s0 =	simm.s32 @!p0 $0x0  }
0x12: {  	s1 =	sld [smem:$0x3F95];
	s0 =	simm.s32 @p0 $0x1  }
0x13: {  	[smem:$0x3FB0] =	sst s0;
	s0 =	simm.s32 @!p1 $0x0  }
0x14: {  	s2 =	sld [smem:$0x3F94];
	s0 =	simm.s32 @p1 $0x1  }
0x15: {  	[smem:$0x3FB1] =	sst s0;
	s0 =	simm.s32 @!p2 $0x0  }
0x16: {  	s3 =	sld [smem:$0x3FDB];
	s0 =	simm.s32 @p2 $0x1  }
0x17: {  	s4 =	simm.s32 $0x1BF5;
	[smem:$0x3FB3] =	sst s0  }
0x18: {  	s0 =	sld [smem:$0x3F96];
	_ =	swait.ge [sflag:s4], $0x0  }
0x19: {  	s7 =	sld [smem:$0x3F97]  }
0x1a: {  	s8 =	sadd.s32 $0xFFFFE003, lr  }
0x1b: {  	s9 =	sadd.s32 $0xFFFFFEF7, lr;
	s5 =	simm.s32 $0xFFFFFFFF;
	p2 =	slt.u32 s8, $0xFFFFF086  }
0x1c: {  	p1 =	slt.u32 s9, $0xF7A;
	s5 =	simm.s32 @!p2 $0x0  }
0x1d: {  	s5 =	simm.s32 @p1 $0x1;
	p0 =	seq.s32 s7, s2  }
0x1e: {  	s7 =	smul.u32 @!p0 $0xF7A, s2;
	p2 =	seq.s32 @!p0 s5, $0x0  }
0x1f: {  	s9 =	smul.u32 $0xF7A, s1;
	s8 =	simm.s32 @!p0 $0x1BF5;
	p2 =	por !p2, p0  }
0x20: {  	[sflag:s8] =	ssyncset.s32 @!p0 $0xFFFFF086;
	s6 =	sadd.s32 @!p0 s3, s7;
	s7 =	simm.s32 @!p0 $0x108  }
0x21: {  	s3 =	sadd.s32 s3, s9;
	s6 =	sadd.s32 @!p0 $0x88, s6;
	s7 =	simm.s32 @p2 $0x1082  }
0x22: {  	[simem:s7], [sflag:s8] =	dma.local @!p0 [hbm:s6], $0xF7A  }
0x23: {  	s9 =	sor.u32 $0xD0000000, s2;
	s6 =	simm.s32 $0x108;
	_ =	swait.ge @!p0 [sflag:s8], $0x0  }
0x24: {  	s3 =	sadd.s32 $0x88, s3;
	s6 =	simm.s32 @!p1 $0x1082;
	[sflag:s4] =	ssyncset.s32 $0xFFFFF086  }
0x25: {  	[simem:s6], [sflag:s4] =	dma.local [hbm:s3], $0xF7A  }
0x26: {  	[smem:$0x3F97] =	sst s1;
	(tag) =	ssettag s2;
	_ =	strace s9  }
0x27: {  	s1 =	sld [smem:$0x3FA7]  }
0x28: {  	s2 =	sld [smem:$0x3FA8]  }
0x29: {  	s4 =	sld [smem:$0x3FAA]  }
0x2a: {  	p0 =	seq.s32 s5, $0x0;
	s5 =	sld [smem:$0x3FAB]  }
0x2b: {  	s6 =	sld [smem:$0x3FAC]  }
0x2c: {  	s7 =	sld [smem:$0x3FAD]  }
0x2d: {  	s3 =	simm.s32 $0x108;
	s8 =	sld [smem:$0x3FAE]  }
0x2e: {  	s3 =	simm.s32 @!p0 $0x1082;
	s9 =	sld [smem:$0x3FAF]  }
0x2f: {  	lr =	sadd.s32 s0, s3;
	s0 =	sld [smem:$0x3FA6]  }
0x30: {  	s3 =	sld [smem:$0x3FA9]  }
0x31: {  	[smem:$0x3FB2] =	sst s10  }
0x32: {  	s10 =	sld [smem:$0x3FB0];
	_ =	sdelay $0x3  }
0x33: {  	p0 =	seq.s32 s10, $0x1;
	s10 =	sld [smem:$0x3FB2];
	_ =	sdelay $0x3  }
0x34: {  	[smem:$0x3FB2] =	sst s10  }
0x35: {  	s10 =	sld [smem:$0x3FB1];
	_ =	sdelay $0x3  }
0x36: {  	p1 =	seq.s32 s10, $0x1;
	s10 =	sld [smem:$0x3FB2];
	_ =	sdelay $0x3  }
0x37: {  	[smem:$0x3FB2] =	sst s10  }
0x38: {  	s10 =	sld [smem:$0x3FB3]  }
0x39: {  	_ = 	snop;
	(pc) =	sbr.ind lr, $3  }
0x3a: {  	_ = 	snop  }
0x3b: {  	_ = 	snop  }
0x3c: {  	p2 =	seq.s32 s10, $0x1;
	s10 =	sld [smem:$0x3FB2]  }
0x3d: {  	_ =	shalt  }
0x3e: {  	_ =	shalt  }
0x3f: {  	_ =	shalt  }
0x40: {  	_ =	shalt  }
0x41: {  	_ =	shalt  }
0x42: {  	_ =	shalt  }
0x43: {  	_ =	shalt  }
0x44: {  	_ =	shalt  }
0x45: {  	_ =	shalt  }
0x46: {  	_ =	shalt  }
0x47: {  	_ =	shalt  }
0x48: {  	_ =	shalt  }
0x49: {  	_ =	shalt  }
0x4a: {  	_ =	shalt  }
0x4b: {  	_ =	shalt  }
0x4c: {  	_ =	shalt  }
0x4d: {  	_ =	shalt  }
0x4e: {  	_ =	shalt  }
0x4f: {  	_ =	shalt  }
0x50: {  	_ =	shalt  }
0x51: {  	_ =	shalt  }
0x52: {  	_ =	shalt  }
0x53: {  	_ =	shalt  }
0x54: {  	_ =	shalt  }
0x55: {  	_ =	shalt  }
0x56: {  	_ =	shalt  }
0x57: {  	_ =	shalt  }
0x58: {  	_ =	shalt  }
0x59: {  	_ =	shalt  }
0x5a: {  	_ =	shalt  }
0x5b: {  	_ =	shalt  }
0x5c: {  	_ =	shalt  }
0x5d: {  	_ =	shalt  }
0x5e: {  	_ =	shalt  }
0x5f: {  	_ =	shalt  }
0x60: {  	_ =	shalt  }
0x61: {  	_ =	shalt  }
0x62: {  	_ =	shalt  }
0x63: {  	_ =	shalt  }
0x64: {  	_ =	shalt  }
0x65: {  	_ =	shalt  }
0x66: {  	_ =	shalt  }
0x67: {  	_ =	shalt  }
0x68: {  	_ =	shalt  }
0x69: {  	_ =	shalt  }
0x6a: {  	_ =	shalt  }
0x6b: {  	_ =	shalt  }
0x6c: {  	_ =	shalt  }
0x6d: {  	_ =	shalt  }
0x6e: {  	_ =	shalt  }
0x6f: {  	_ =	shalt  }
0x70: {  	_ =	shalt  }
0x71: {  	_ =	shalt  }
0x72: {  	_ =	shalt  }
0x73: {  	_ =	shalt  }
0x74: {  	_ =	shalt  }
0x75: {  	_ =	shalt  }
0x76: {  	_ =	shalt  }
0x77: {  	_ =	shalt  }
0x78: {  	_ =	shalt  }
0x79: {  	_ =	shalt  }
0x7a: {  	_ =	shalt  }
0x7b: {  	_ =	shalt  }
0x7c: {  	_ =	shalt  }
0x7d: {  	_ =	shalt  }
0x7e: {  	_ =	shalt  }
0x7f: {  	_ =	shalt  }
0x80: {  	_ =	shalt  }
0x81: {  	_ =	shalt  }
0x82: {  	_ =	shalt  }
0x83: {  	_ =	shalt  }
0x84: {  	_ =	shalt  }
0x85: {  	_ =	shalt  }
0x86: {  	_ =	shalt  }
0x87: {  	_ =	shalt  }
.Lfunc_end0:
.L_simem_size_0:
called_computation_lowered:
.L_overlay_start_0:
0x88: {  	s2 =	sld [smem:$0x3FD9]  }
0x89: {  	s3 =	sld [smem:$0x3FFE];
	_ =	sdelay $0x1  }
0x8a: {  	s1 =	srdreg.scid  }
0x8b: {  	s0 =	sand.u32 $0x1, s1  }
0x8c: {  	s17 =	sshll.u32 s0, $0xA;
	s2 =	sadd.s32 s3, s2  }
0x8d: {  	s2 =	sadd.s32 s2, s17  }
0x8e: {  	[smem:$0x3FBE] =	sst s2  }
0x8f: {  	_ = 	snop  }
0x90: {  	s2 =	sld [smem:$0x3FC8]  }
0x91: {  	s18 =	sld [smem:$0x3FC7]  }
0x92: {  	s4 =	sld [smem:$0x3FC6]  }
0x93: {  	s5 =	sld [smem:$0x3FD0];
	(tm) =	ssettm $0x1  }
0x94: {  	s6 =	sld [smem:$0x3FFB];
	_ =	sdelay $0x3  }
0x95: {  	_ =	strace s6  }
0x96: {  	s6 =	sld [smem:$0x3FFC];
	_ =	sdelay $0x3  }
0x97: {  	_ =	strace s6  }
0x98: {  	s6 =	sld [smem:$0x3FFD];
	_ =	sdelay $0x3  }
0x99: {  	_ =	strace s6  }
0x9a: {  	_ =	strace $0x8FFFFFFF  }
0x9b: {  	s19 =	sld [smem:$0x3FDB];
	_ =	sdelay $0x1  }
0x9c: {  	s7 =	simm.s32 $_scs_section_size  }
0x9d: {  	s8 =	simm.s32 $_size__tile_overlayer_lowered;
	s9 =	simm.s32 $_tile_overlayer_lowered  }
0x9e: {  	s22 =	simm.s32 $0x1BFF;
	s21 =	sshll.u32 s9, $0x1;
	s6 =	sadd.s32 s7, s19  }
0x9f: {  	s10 =	simm.s32 $0x0;
	s20 =	sshll.u32 s8, $0x1;
	s8 =	sadd.s32 s21, s6  }
0xa0: {  	[timem:s10], [sflag:s22] =	dma.local [hbm:s8], s20  }
0xa1: {  	_ =	swait.ge [sflag:s22], s20  }
0xa2: {  	s7 =	ssub.s32 $0x0, s20;
	[sflag:s22] =	ssyncset.done $0x0  }
0xa3: {  	[sflag:s22] =	ssyncadd.s32 s7;
	_ =	sdelay $0x1  }
0xa4: {  	s23 =	simm.s32 $0x1B8B  }
0xa5: {  	_ =	swait.ge [sflag:s23], $0x1  }
0xa6: {  	[sflag:s23] =	ssyncset.done $0x0  }
0xa7: {  	s25 =	simm.s32 $0x1B8E;
	s24 =	sld [smem:$0x3FFE];
	[sflag:s23] =	ssyncadd.s32 $0xFFFFFFFF  }
0xa8: {  	s26 =	simm.s32 $execute0_lowered;
	[smem:$0x3FD2] =	sst s25  }
0xa9: {  	s8 =	sshll.u32 s26, $0x1;
	_ =	strace $0x80000046;
	[dreg:$0x1] =	wrdreg $0xFFFFFFFF  }
0xaa: {  	s28 =	simm.s32 $_size_execute0_lowered;
	s6 =	sadd.s32 s6, s8;
	[dreg:$0x0] =	wrdreg $0x0  }
0xab: {  	s8 =	sshll.u32 s28, $0x1;
	[dreg:$0x2] =	wrdreg s6  }
0xac: {  	[dreg:$0x3] =	wrdreg s8  }
0xad: {  	[dreg:$0x4] =	wrdreg $0xC0  }
0xae: {  	_ =	task [dreg:s10], $0x5FFFF  }
0xaf: {  	[dreg:$0x1] =	wrdreg $0xFFFFFFFF  }
0xb0: {  	[dreg:$0x0] =	wrdreg $0x60  }
0xb1: {  	[dreg:$0x2] =	wrdreg s5  }
0xb2: {  	[dreg:$0x3] =	wrdreg s24  }
0xb3: {  	[dreg:$0x4] =	wrdreg s2  }
0xb4: {  	[dreg:$0x5] =	wrdreg s4  }
0xb5: {  	[dreg:$0x6] =	wrdreg s18  }
0xb6: {  	[dreg:$0x7] =	wrdreg $0x9  }
0xb7: {  	_ =	task.clear_ibuf [dreg:s10], $0x8FFFF;
	_ =	strace $0x90000046  }
0xb8: {  	s29 =	simm.s32 $0x9;
	_ =	strace $0x80000048  }
0xb9: {  	_ =	swait.ge [sflag:s29], $0x1  }
0xba: {  	[sflag:s29] =	ssyncadd.s32 $0xFFFFFFFF  }
0xbb: {  	_ =	strace $0x90000048  }
0xbc: {  	_ =	sfence  }
0xbd: {  	s30 =	sld [smem:$0x0];
	_ =	sdelay $0x2  }
0xbe: {  	s31 =	sshll.u32 s1, $0xD;
	s1 =	sshrl.u32 s1, $0x2  }
0xbf: {  	s3 =	sand.u32 $0x4000, s31;
	s1 =	sadd.s32 s1, s30  }
0xc0: {  	s0 =	sor.u32 s3, s0;
	s1 =	sshll.u32 s1, $0x11  }
0xc1: {  	s0 =	sor.u32 s1, s0  }
0xc2: {  	s0 =	sadd.s32 $0x8F2B, s0  }
0xc3: {  	[sflag:s0] =	ssyncadd.remote.s32 $0x1  }
0xc4: {  	_ =	sfence.sel $0xFFFF  }
0xc5: {  	[dreg:$0x0] =	wrdreg $0xFFFFFFFF;
	(pc) =	sbr.abs _section_cstart, $3  }
0xc6: {  	[dreg:$0x1] =	wrdreg $0xFFFFFFFF  }
0xc7: {  	_ =	task.clear_ibuf [dreg:s10], $0x2FFFF;
	_ =	strace $0x9FFFFFFF  }
0xc8: {  	(tm) =	ssettm $0x7FFFFFFF  }
0xc9: {  	_ =	shalt  }
tec
execute0_lowered:
.L_overlay_start_1:
0x0: {  	(tag) =	ssettag $0x1  }
0x1: {  	s1 =	rddreg [dreg:$0x0]  }
0x2: {  	s5 =	rddreg [dreg:$0x1]  }
0x3: {  	s6 =	rddreg [dreg:$0x2];
	s2 =	srdreg.scid  }
0x4: {  	s0 =	stileid.u32;
	s7 =	rddreg [dreg:$0x3]  }
0x5: {  	s9 =	rddreg [dreg:$0x4];
	s3 =	simm.s32 $0x0;
	s19 =	simm.s32 $0x0  }
0x6: {  	s8 =	sand.u32 $0x1, s2;
	s26 =	sshll.u32 s0, $0x1;
	s31 =	smul.u32 $0x4E20, s0  }
0x7: {  	[smem:$0x7FF] =	sst s3;
	s4 =	sor.u32 s8, s26;
	s18 =	smul.u32 $0x2710, s8  }
0x8: {  	_ =	strace $0x80000047;
	s14 =	ssub.s32 $0x2, s8;
	s10 =	smul.u32 $0x2710, s4  }
0x9: {  	s13 =	smul.u32 $0x500, s4;
	s4 =	sadd.s32 $0x1800, s5;
	s16 =	sshrl.u32 s14, $0x1  }
0xa: {  	s14 =	ssub.s32 s14, s16;
	s16 =	simm.s32 $0x1;
	s11 =	sshrl.u32 s10, $0x7  }
0xb: {  	s13 =	sadd.s32 s13, s5;
	s28 =	sand.u32 $0x7FF80, s10;
	s29 =	sadd.s32 $0x2710, s10  }
0xc: {  	s10 =	smax.u32 s14, $0x1;
	s14 =	simm.s32 $0x9F00;
	s12 =	sshll.u32 s11, $0x4  }
0xd: {  	s30 =	sshll.u32 s11, $0x5;
	s17 =	sand.u32 $0xFFF80, s29;
	s11 =	sadd.s32 s18, s31  }
0xe: {  	s18 =	simm.s32 $0xEE00;
	s15 =	sadd.s32 s12, s5;
	s5 =	sadd.s32 s6, s30  }
0xf: {  	s6 =	sadd.s32 s7, s12;
	s7 =	sadd.s32 s9, s12;
	s9 =	sadd.s32 $0x1E00, s13  }
0x10: {  	v2 =	vimm.f32 $0.0e+00;
	s11 =	sor.u32 $0x70, s11;
	s12 =	simm.s32 $0x2800;
	s13 =	simm.s32 $0x5000  }
0x11: {  	v3 =	vlaneseq.u32;
	v0 =	vmov s28;
	v1 =	vmov s17;
	s17 =	simm.s32 $0x11580;
	s8 =	sadd.s32 $0xBE00, s15;
	s15 =	simm.s32 $0xC680  }
.LBB2_1:
0x12: {  	[tilespmem:s3], [sflag:$0x1] =	stream.linear.gather [hbm4b:s1+s3], $0x2800, $0x38;
	[tilespmem:$0x13D80] =	vst v63  }
0x13: {  	_ = 	snop  }
0x14: {  	[tilespmem:s12], [sflag:$0x1] =	stream.linear.gather [hbm4b:s4+s3], $0x2800, $0x38;
	[tilespmem:$0x13D80] =	vst v63  }
0x15: {  	_ = 	snop  }
0x16: {  	[tilespmem:s13], [sflag:$0x1] =	stream.linear.gather [hbm4b:s5+s3], $0x4F00, $0x38;
	[tilespmem:$0x13D80] =	vst v63  }
0x17: {  	_ = 	snop  }
0x18: {  	[tilespmem:s14], [sflag:$0x1] =	stream.linear.gather [hbm4b:s6+s3], $0x2780, $0x38;
	[tilespmem:$0x13D80] =	vst v63  }
0x19: {  	s20 =	simm.s32 $0x115C0  }
0x1a: {  	[tilespmem:s15], [sflag:$0x1] =	stream.linear.gather [hbm4b:s7+s3], $0x2780, $0x38;
	[tilespmem:$0x13D80] =	vst v63  }
0x1b: {  	[tilespmem:s20+$0xFFFFFFC0] =	vst v2  }
0x1c: {  	[tilespmem:s20+$0x30] =	vst v2  }
0x1d: {  	[tilespmem:s20+$0x20] =	vst v2  }
0x1e: {  	[tilespmem:s20+$0x10] =	vst v2  }
0x1f: {  	[tilespmem:s20+$0x0] =	vst v2  }
0x20: {  	[tilespmem:s20+$0xFFFFFFF0] =	vst v2  }
0x21: {  	s21 =	simm.s32 $0x0;
	[tilespmem:s20+$0xFFFFFFE0] =	vst v2  }
.LBB2_2:
0x22: {  	s21 =	sadd.s32 $0x8, s21;
	[tilespmem:s20+$0xFFFFFFD0] =	vst v2;
	s20 =	sadd.s32 $0x80, s20  }
0x23: {  	[tilespmem:s20+$0xFFFFFFC0] =	vst v2;
	p0 =	slt.u32 s21, $0x278  }
0x24: {  	[tilespmem:s20+$0x30] =	vst v2  }
.Ltmp0:
0x25: {  	[tilespmem:s20+$0x20] =	vst v2;
	(pc) =	sbr.rel @p0 .LBB2_2-.Ltmp0, $4  }
0x26: {  	[tilespmem:s20+$0x10] =	vst v2  }
0x27: {  	[tilespmem:s20+$0x0] =	vst v2  }
0x28: {  	[tilespmem:s20+$0xFFFFFFF0] =	vst v2  }
0x29: {  	[tilespmem:s20+$0xFFFFFFE0] =	vst v2  }
0x2a: {  	[tilespmem:s20+$0xFFFFFFD0] =	vst v2  }
0x2b: {  	_ =	swait.ge [sflag:s16], $0x2800  }
0x2c: {  	[sflag:s16] =	ssyncset.done $0x0  }
0x2d: {  	[sflag:s16] =	ssyncadd.s32 $0xFFFFD800  }
0x2e: {  	_ =	swait.ge [sflag:s16], $0x2800  }
0x2f: {  	[sflag:s16] =	ssyncset.done $0x0  }
0x30: {  	[sflag:s16] =	ssyncadd.s32 $0xFFFFD800  }
0x31: {  	_ =	swait.ge [sflag:s16], $0x4F00  }
0x32: {  	[sflag:s16] =	ssyncset.done $0x0  }
0x33: {  	[sflag:s16] =	ssyncadd.s32 $0xFFFFB100  }
0x34: {  	_ =	swait.ge [sflag:s16], $0x2780  }
0x35: {  	[sflag:s16] =	ssyncset.done $0x0  }
0x36: {  	[sflag:s16] =	ssyncadd.s32 $0xFFFFD880  }
0x37: {  	_ =	swait.ge [sflag:s16], $0x2780  }
0x38: {  	[sflag:s16] =	ssyncset.done $0x0  }
0x39: {  	s26 =	simm.s32 $0x9F40;
	[sflag:s16] =	ssyncadd.s32 $0xFFFFD880  }
0x3a: {  	v16 =	vld [tilespmem:s26+$0x10]  }
0x3b: {  	v12 =	vld [tilespmem:s26+$0x30]  }
0x3c: {  	v7 =	vld [tilespmem:s26+$0x20]  }
0x3d: {  	s21 =	simm.s32 $0x5080;
	v22 =	vld [tilespmem:s26+$0xFFFFFFC0]  }
0x3e: {  	v6 =	vld [tilespmem:s21+$0xFFFFFFE0]  }
0x3f: {  	v8 =	vld [tilespmem:s21+$0x60]  }
0x40: {  	v4 =	vld [tilespmem:s21+$0x70]  }
0x41: {  	v5 =	vld [tilespmem:s21+$0xFFFFFFF0]  }
0x42: {  	v17 =	vld [tilespmem:s26+$0xFFFFFFE0]  }
0x43: {  	v9 =	vld [tilespmem:s21+$0xFFFFFFA0]  }
0x44: {  	v10 =	vld [tilespmem:s21+$0x50]  }
0x45: {  	v18 =	vld [tilespmem:s26+$0x0]  }
0x46: {  	v13 =	vld.idx.msk [tilespmem:v6+s3+$0x0], $0xffff  }
0x47: {  	v8 =	vld.idx.msk [tilespmem:v8+s12+$0x0], $0xffff  }
0x48: {  	v11 =	vld [tilespmem:s21+$0x20]  }
0x49: {  	v23 =	vld [tilespmem:s21+$0x0]  }
0x4a: {  	v25 =	vld [tilespmem:s21+$0x40];
	v24 =	vadd.f32 $1.000000010e-07, v7  }
0x4b: {  	v33 =	vld [tilespmem:s21+$0x30]  }
0x4c: {  	v19 =	vld.idx.msk [tilespmem:v10+s12+$0x0], $0xffff;
	v10 =	vsub.f32 $1.000000000e+00, v24;
	v8 =	vmul.f32 v8, v13  }
0x4d: {  	v7 =	vld [tilespmem:s21+$0xFFFFFFC0]  }
0x4e: {  	v20 =	vld.idx.msk [tilespmem:v4+s12+$0x0], $0xffff;
	v10 =	vmul.f32 v10, v8  }
0x4f: {  	v21 =	vld.idx.msk [tilespmem:v5+s3+$0x0], $0xffff  }
0x50: {  	v4 =	vld [tilespmem:s21+$0xFFFFFF80];
	v13 =	vadd.f32 v10, v24  }
0x51: {  	s22 =	sadd.s32 $0xFFFFFFB0, s11;
	v34 =	vld [tilespmem:s21+$0x10]  }
0x52: {  	s28 =	sadd.s32 $0xFFFFFF90, s11;
	s29 =	sadd.s32 $0xFFFFFFC0, s11;
	v15 =	vor.u32 s22, v3;
	v27 =	vld.idx.msk [tilespmem:v9+s3+$0x0], $0xffff;
	(erf) = vrcp.f32 v13  }
0x53: {  	s30 =	simm.s32 $0xC6C0;
	s31 =	sadd.s32 $0xFFFFFFF0, s11;
	v14 =	vor.u32 s28, v3;
	v26 =	vor.u32 s29, v3;
	v31 =	vadd.f32 $1.000000010e-07, v12;
	v28 =	vld.idx.msk [tilespmem:v11+s12+$0x0], $0xffff  }
0x54: {  	v60 =	vor.u32 s31, v3;
	vm1 =	vge.u32 v15, v0;
	vm3 =	vlt.u32 v26, v1;
	v37 =	vld [tilespmem:s30+$0x20]  }
0x55: {  	s25 =	sadd.s32 $0xFFFFFFE0, s11;
	vm4 =	vlt.u32 v14, v1;
	v30 =	vld.idx.msk [tilespmem:v23+s12+$0x0], $0xffff;
	v20 =	vmul.f32 v20, v21;
	v21 =	vsub.f32 $1.000000000e+00, v31  }
0x56: {  	vm6 =	vmmov vm1;
	v12 =	vor.u32 s25, v3;
	v25 =	vld.idx.msk [tilespmem:v25+s12+$0x0], $0xffff;
	v23 =	vadd.f32 $1.000000010e-07, v17  }
0x57: {  	vm1 =	vmmov vm4;
	vm8 =	vge.u32 v12, v0;
	v32 =	vld.idx.msk [tilespmem:v7+s3+$0x0], $0xffff;
	v21 =	vmul.f32 v21, v20  }
0x58: {  	v27 =	vmul.f32 v28, v27;
	v20 =	vadd.f32 $1.000000010e-07, v18;
	v18 =	vsub.f32 $1.000000000e+00, v23;
	v29 =	vld.idx.msk [tilespmem:v4+s3+$0x0], $0xffff  }
0x59: {  	vm4 =	vmmov vm8;
	vm8 =	vlt.u32 v60, v1;
	v10 =	vld [tilespmem:s21+$0xFFFFFFB0];
	v35 =	vadd.f32 v21, v31  }
0x5a: {  	v11 =	vor.u32 s11, v3;
	v17 =	vadd.f32 $1.000000010e-07, v16;
	v16 =	vld [tilespmem:s21+$0xFFFFFF90];
	v27 =	vmul.f32 v18, v27  }
0x5b: {  	v33 =	vld.idx.msk [tilespmem:v33+s12+$0x0], $0xffff;
	vm0 =	vge.u32 v11, v0;
	v28 =	vadd.f32 $1.000000010e-07, v22;
	(erf) = vrcp.f32 v35;
	v22 =	vpop (erf)  }
0x5c: {  	s23 =	sadd.s32 $0xFFFFFFA0, s11;
	v39 =	vld.idx.msk [tilespmem:v34+s12+$0x0], $0xffff;
	vm2 =	vlt.u32 v11, v1;
	v22 =	vmul.f32 v22, v24;
	v24 =	vadd.f32 v27, v23  }
0x5d: {  	v11 =	vor.u32 s23, v3;
	v8 =	vld [tilespmem:s21+$0xFFFFFFD0];
	v29 =	vmul.f32 v30, v29;
	v30 =	vsub.f32 $1.000000000e+00, v28  }
0x5e: {  	v34 =	vld [tilespmem:s30+$0xFFFFFFE0];
	v36 =	vsub.f32 $1.000000000e+00, v20;
	(erf) = vrcp.f32 v24;
	v24 =	vmul.f32 v25, v32  }
0x5f: {  	vm0 =	vmand vm0, vm2;
	vm2 =	vge.u32 v26, v0;
	v27 =	vld [tilespmem:s26+$0xFFFFFFF0];
	v25 =	vmul.f32 v30, v29  }
0x60: {  	v26 =	vld [tilespmem:s30+$0x30];
	vm9 =	vge.u32 v11, v0;
	vm7 =	vmand vm2, vm3;
	v24 =	vmul.f32 v36, v24  }
0x61: {  	vm3 =	vmmov vm0;
	v59 =	vld.idx.msk [tilespmem:v10+s3+$0x0], $0xffff;
	v22 =	vmul.f32 $1.600000020e+00, v22;
	v25 =	vadd.f32 v25, v28  }
0x62: {  	vm10 =	vmmov vm7;
	vm7 =	vge.u32 v60, v0;
	v29 =	vld [tilespmem:s26+$0xFFFFFFD0];
	v38 =	vadd.f32 v24, v20  }
0x63: {  	s24 =	sadd.s32 $0xFFFFFFD0, s11;
	vm7 =	vmand vm7, vm8;
	v61 =	vld.idx.msk [tilespmem:v16+s3+$0x0], $0xffff;
	v22 =	vadd.f32 $-5.000000000e-01, v22;
	(erf) = vrcp.f32 v25  }
0x64: {  	v18 =	vld [tilespmem:s30+$0xFFFFFFD0];
	v13 =	vor.u32 s24, v3;
	v63 =	vpop (erf);
	v32 =	vadd.f32 $1.000000010e-07, v27;
	(erf) = vrcp.f32 v38  }
0x65: {  	v21 =	vsub.f32 $1.000000000e+00, v17;
	vm5 =	vge.u32 v13, v0;
	v30 =	vld.idx.msk [tilespmem:v8+s3+$0x0], $0xffff;
	v22 =	vmax.f32 v22, $0.0e+00  }
0x66: {  	v40 =	vmul.f32 v63, v31;
	v27 =	vld [tilespmem:s30+$0x0];
	v22 =	vmin.f32 v22, $1.000000000e+00;
	v62 =	vsub.f32 $1.000000000e+00, v32  }
0x67: {  	s20 =	simm.s32 $0xEE40;
	v25 =	vld [tilespmem:s30+$0xFFFFFFF0];
	v29 =	vadd.f32 $1.000000010e-07, v29;
	v24 =	vmul.f32 v22, v37;
	v22 =	vmul.f32 v33, v59  }
0x68: {  	s22 =	simm.s32 $0x0;
	s25 =	simm.s32 $0xC740;
	s21 =	simm.s32 $0xEE40;
	vm2 =	vmmov vm5;
	vm5 =	vmmov vm9;
	v35 =	vmul.f32 v39, v61;
	v33 =	vld [tilespmem:s30+$0xFFFFFFC0]  }
0x69: {  	s23 =	simm.s32 $0x5180;
	s24 =	simm.s32 $0x9FC0;
	s26 =	smov.u32 s11;
	v36 =	vmul.f32 $1.600000020e+00, v40;
	v37 =	vsub.f32 $1.000000000e+00, v29;
	[tilespmem:s21+$0x20] =	vst v24;
	v38 =	vmul.f32 v62, v22;
	v22 =	vld [tilespmem:s30+$0x10];
	v31 =	vpop (erf)  }
.LBB2_4:
0x6a: {  	vm8 =	vge.u32 v14, v0;
	v14 =	vmul.f32 v31, v23  }
0x6b: {  	v39 =	vld [tilespmem:s24+$0x10];
	s22 =	sadd.s32 $0x8, s22;
	v42 =	vadd.f32 v38, v32;
	s26 =	sadd.s32 $0x80, s26;
	s21 =	sadd.s32 $0x80, s21;
	v19 =	vmul.f32 v19, v30;
	vm0 =	vmmov vm2  }
0x6c: {  	vm2 =	vmmov vm10;
	s29 =	sadd.s32 $0xFFFFFFB0, s26;
	s28 =	sadd.s32 $0xFFFFFFC0, s26;
	v31 =	vld [tilespmem:s24+$0x30];
	p0 =	slt.u32 s22, $0x270;
	v35 =	vmul.f32 v37, v35;
	v36 =	vadd.f32 $-5.000000000e-01, v36;
	v37 =	vpop (erf)  }
0x6d: {  	s30 =	sadd.s32 $0xFFFFFFE0, s26;
	v38 =	vor.u32 s29, v3;
	s29 =	sadd.s32 $0xFFFFFFD0, s26;
	v40 =	vld [tilespmem:s24+$0x20];
	v41 =	vmul.f32 $1.600000020e+00, v14;
	(erf) = vrcp.f32 v42;
	v23 =	vpop (erf)  }
0x6e: {  	s31 =	sadd.s32 $0xFFFFFF90, s26;
	s2 =	sadd.s32 $0xFFFFFFA0, s26;
	v19 =	vmul.f32 v21, v19;
	v30 =	vld [tilespmem:s24+$0xFFFFFFC0];
	v35 =	vadd.f32 v35, v29;
	v21 =	vmax.f32 v36, $0.0e+00  }
0x6f: {  	v14 =	vor.u32 s31, v3;
	vm9 =	vge.u32 v38, v0;
	v36 =	vld [tilespmem:s23+$0x70];
	v21 =	vmin.f32 v21, $1.000000000e+00  }
0x70: {  	v41 =	vadd.f32 $-5.000000000e-01, v41;
	v19 =	vadd.f32 v19, v17;
	v42 =	vld [tilespmem:s23+$0xFFFFFFF0];
	v26 =	vmul.f32 v21, v26  }
0x71: {  	v28 =	vmul.f32 v37, v28;
	v20 =	vmul.f32 v23, v20;
	v21 =	vor.u32 s26, v3;
	v43 =	vld [tilespmem:s23+$0xFFFFFFE0]  }
0x72: {  	vm10 =	vge.u32 v21, v0;
	v37 =	vmax.f32 v41, $0.0e+00;
	v23 =	vld [tilespmem:s23+$0x60];
	[tilespmem:s20+$0x30] =	vst v26;
	(erf) = vrcp.f32 v19  }
0x73: {  	v20 =	vmul.f32 $1.600000020e+00, v20;
	v19 =	vmin.f32 v37, $1.000000000e+00;
	v41 =	vld [tilespmem:s24+$0xFFFFFFE0];
	(erf) = vrcp.f32 v35  }
0x74: {  	vm12 =	vlt.u32 v15, v1;
	v15 =	vmovc v38;
	vm11 =	vlt.u32 v21, v1;
	v21 =	vmul.f32 $1.600000020e+00, v28;
	v35 =	vld [tilespmem:s23+$0xFFFFFFA0]  }
0x75: {  	vm6 =	vmand vm6, vm12;
	vm10 =	vmand vm10, vm11;
	v20 =	vadd.f32 $-5.000000000e-01, v20;
	v28 =	vld [tilespmem:s23+$0x50]  }
0x76: {  	v37 =	vor.u32 s2, v3;
	v21 =	vadd.f32 $-5.000000000e-01, v21;
	v19 =	vmul.f32 v19, v34;
	v38 =	vld [tilespmem:s24+$0x0];
	v34 =	vpop (erf)  }
0x77: {  	v44 =	vor.u32 s28, v3;
	v46 =	vor.u32 s30, v3;
	v45 =	vor.u32 s29, v3;
	v36 =	vld.idx.msk [tilespmem:v36+s12+$0x0], $0xffff  }
0x78: {  	vm12 =	vge.u32 v44, v0;
	v21 =	vmax.f32 v21, $0.0e+00;
	v32 =	vmul.f32 v34, v32;
	v47 =	vld.idx.msk [tilespmem:v42+s3+$0x0], $0xffff;
	[tilespmem:s20+$0xFFFFFFE0] =	vst v19  }
0x79: {  	vm13 =	vlt.u32 v44, v1;
	vm11 =	vge.u32 v45, v0;
	v21 =	vmin.f32 v21, $1.000000000e+00;
	v34 =	vld [tilespmem:s23+$0xFFFFFF80]  }
0x7a: {  	vm13 =	vmand vm12, vm13;
	v33 =	vmul.f32 v21, v33;
	v21 =	vmul.f32 $1.600000020e+00, v32;
	v44 =	vld [tilespmem:s23+$0x20]  }
0x7b: {  	vm14 =	vge.u32 v46, v0;
	vm12 =	vlt.u32 v14, v1;
	v49 =	vmax.f32 v20, $0.0e+00;
	v32 =	vld.idx.msk [tilespmem:v43+s3+$0x0], $0xffff;
	v48 =	vpop (erf)  }
0x7c: {  	v49 =	vmin.f32 v49, $1.000000000e+00;
	v21 =	vadd.f32 $-5.000000000e-01, v21;
	[tilespmem:v9+s17+$0x0] =	vst.idx.add.f32.msk vm6, v19;
	v48 =	vmul.f32 v48, v17;
	v20 =	vpop (erf)  }
0x7d: {  	v27 =	vmul.f32 v49, v27;
	v17 =	vadd.f32 $1.000000010e-07, v39;
	v9 =	vmovc v35;
	v19 =	vld.idx.msk [tilespmem:v28+s12+$0x0], $0xffff;
	v28 =	vmul.f32 v20, v29  }
0x7e: {  	vm15 =	vge.u32 v37, v0;
	v39 =	vadd.f32 $1.000000010e-07, v40;
	v29 =	vld.idx.msk [tilespmem:v23+s12+$0x0], $0xffff;
	[tilespmem:s20+$0xFFFFFFC0] =	vst v33;
	v23 =	vmax.f32 v21, $0.0e+00  }
0x7f: {  	v20 =	vadd.f32 $1.000000010e-07, v38;
	v21 =	vsub.f32 $1.000000000e+00, v17;
	v35 =	vld.idx.msk [tilespmem:v35+s3+$0x0], $0xffff;
	v23 =	vmin.f32 v23, $1.000000000e+00;
	[tilespmem:s20+$0x0] =	vst v27  }
0x80: {  	vm6 =	vlt.u32 v11, v1;
	v25 =	vmul.f32 v23, v25;
	[tilespmem:v6+s17+$0x0] =	vst.idx.add.f32.msk vm7, v24;
	v6 =	vmov v43  }
0x81: {  	v11 =	vmovc v37;
	v38 =	vmul.f32 $1.600000020e+00, v48;
	v28 =	vmul.f32 $1.600000020e+00, v28;
	v24 =	vsub.f32 $1.000000000e+00, v20;
	[tilespmem:v5+s17+$0x0] =	vst.idx.add.f32.msk vm3, v26;
	v5 =	vmovc v42  }
0x82: {  	v37 =	vsub.f32 $1.000000000e+00, v39;
	vm7 =	vmand vm5, vm6;
	vm3 =	vlt.u32 v12, v1;
	v12 =	vmovc v46;
	v26 =	vld.idx.msk [tilespmem:v44+s12+$0x0], $0xffff;
	[tilespmem:s20+$0xFFFFFFF0] =	vst v25  }
0x83: {  	v23 =	vadd.f32 $1.000000010e-07, v41;
	vm5 =	vlt.u32 v13, v1;
	v38 =	vadd.f32 $-5.000000000e-01, v38;
	v13 =	vmovc v45;
	v40 =	vld [tilespmem:s23+$0xFFFFFFD0]  }
0x84: {  	v28 =	vadd.f32 $-5.000000000e-01, v28;
	vm5 =	vmand vm0, vm5;
	v29 =	vmul.f32 v29, v32;
	v41 =	vld [tilespmem:s23+$0x0]  }
0x85: {  	v38 =	vmax.f32 v38, $0.0e+00;
	vm0 =	vmand vm4, vm3;
	v32 =	vsub.f32 $1.000000000e+00, v23;
	v42 =	vld [tilespmem:s23+$0x40]  }
0x86: {  	v28 =	vmax.f32 v28, $0.0e+00;
	v29 =	vmul.f32 v37, v29;
	v37 =	vmin.f32 v38, $1.000000000e+00;
	v43 =	vld [tilespmem:s23+$0xFFFFFFC0]  }
0x87: {  	vm8 =	vmand vm8, vm1;
	v28 =	vmin.f32 v28, $1.000000000e+00;
	v22 =	vmul.f32 v37, v22;
	v38 =	vld [tilespmem:s23+$0xFFFFFFB0]  }
0x88: {  	vm6 =	vmmov vm9;
	v18 =	vmul.f32 v28, v18;
	v29 =	vadd.f32 v29, v39;
	[tilespmem:v10+s17+$0x0] =	vst.idx.add.f32.msk vm2, v25  }
0x89: {  	vm3 =	vmmov vm10;
	vm10 =	vmmov vm13;
	vm2 =	vmmov vm11;
	v25 =	vld.idx.msk [tilespmem:v34+s3+$0x0], $0xffff;
	[tilespmem:s20+$0x10] =	vst v22  }
0x8a: {  	vm1 =	vmmov vm12;
	vm4 =	vmmov vm14;
	(erf) = vrcp.f32 v29;
	[tilespmem:v7+s17+$0x0] =	vst.idx.add.f32.msk vm5, v27  }
0x8b: {  	vm5 =	vmmov vm15;
	[tilespmem:v8+s17+$0x0] =	vst.idx.add.f32.msk vm0, v22;
	v8 =	vmov v40;
	v7 =	vmov v43  }
0x8c: {  	v22 =	vld.idx.msk [tilespmem:v41+s12+$0x0], $0xffff;
	[tilespmem:s20+$0xFFFFFFD0] =	vst v18;
	v10 =	vmov v38;
	s20 =	smov.u32 s21  }
0x8d: {  	[tilespmem:v4+s17+$0x0] =	vst.idx.add.f32.msk vm8, v33;
	v4 =	vmov v34  }
0x8e: {  	v31 =	vadd.f32 $1.000000010e-07, v31;
	[tilespmem:v16+s17+$0x0] =	vst.idx.add.f32.msk vm7, v18  }
0x8f: {  	v27 =	vld.idx.msk [tilespmem:v43+s3+$0x0], $0xffff  }
0x90: {  	v16 =	vmul.f32 v36, v47;
	v18 =	vsub.f32 $1.000000000e+00, v31;
	v29 =	vld.idx.msk [tilespmem:v42+s12+$0x0], $0xffff  }
0x91: {  	v33 =	vld [tilespmem:s23+$0x30]  }
0x92: {  	v34 =	vmul.f32 v26, v35;
	v18 =	vmul.f32 v18, v16;
	v26 =	vld [tilespmem:s25+$0x30]  }
0x93: {  	v28 =	vadd.f32 $1.000000010e-07, v30;
	v30 =	vld [tilespmem:s23+$0x10];
	v35 =	vpop (erf)  }
0x94: {  	v22 =	vmul.f32 v22, v25;
	v25 =	vmul.f32 v32, v34;
	v32 =	vadd.f32 v18, v31;
	v16 =	vld [tilespmem:s23+$0xFFFFFF90]  }
0x95: {  	s2 =	sadd.s32 $0xFFFFFFF0, s26;
	v34 =	vsub.f32 $1.000000000e+00, v28;
	v35 =	vmul.f32 v35, v39;
	v18 =	vld [tilespmem:s25+$0xFFFFFFD0]  }
0x96: {  	v25 =	vadd.f32 v25, v23;
	v27 =	vmul.f32 v29, v27;
	v29 =	vld [tilespmem:s25+$0x20];
	(erf) = vrcp.f32 v32  }
0x97: {  	v22 =	vmul.f32 v34, v22;
	v34 =	vmul.f32 $1.600000020e+00, v35;
	v32 =	vld [tilespmem:s24+$0xFFFFFFF0]  }
0x98: {  	v24 =	vmul.f32 v24, v27;
	v27 =	vor.u32 s2, v3;
	v35 =	vld.idx.msk [tilespmem:v38+s3+$0x0], $0xffff;
	(erf) = vrcp.f32 v25  }
0x99: {  	v22 =	vadd.f32 v22, v28;
	vm0 =	vge.u32 v27, v0;
	vm7 =	vlt.u32 v27, v1;
	v25 =	vld.idx.msk [tilespmem:v33+s12+$0x0], $0xffff  }
0x9a: {  	v27 =	vadd.f32 $-5.000000000e-01, v34;
	v24 =	vadd.f32 v24, v20;
	vm7 =	vmand vm0, vm7;
	v36 =	vld [tilespmem:s24+$0xFFFFFFD0]  }
0x9b: {  	v37 =	vld.idx.msk [tilespmem:v30+s12+$0x0], $0xffff;
	(erf) = vrcp.f32 v22  }
0x9c: {  	v30 =	vmax.f32 v27, $0.0e+00;
	v22 =	vld.idx.msk [tilespmem:v16+s3+$0x0], $0xffff;
	(erf) = vrcp.f32 v24  }
0x9d: {  	v32 =	vadd.f32 $1.000000010e-07, v32;
	v24 =	vmin.f32 v30, $1.000000000e+00;
	v27 =	vld [tilespmem:s25+$0x0]  }
.Ltmp1:
0x9e: {  	v24 =	vmul.f32 v24, v29;
	v30 =	vld.idx.msk [tilespmem:v8+s3+$0x0], $0xffff;
	(pc) =	sbr.rel @p0 .LBB2_4-.Ltmp1, $4  }
0x9f: {  	v35 =	vmul.f32 v25, v35;
	v38 =	vsub.f32 $1.000000000e+00, v32;
	v25 =	vld [tilespmem:s25+$0xFFFFFFF0];
	v34 =	vpop (erf)  }
0xa0: {  	v29 =	vadd.f32 $1.000000010e-07, v36;
	v33 =	vld [tilespmem:s25+$0xFFFFFFC0];
	[tilespmem:s21+$0x20] =	vst v24;
	v36 =	vmul.f32 v34, v31  }
0xa1: {  	v38 =	vmul.f32 v38, v35;
	v34 =	vld [tilespmem:s25+$0xFFFFFFE0];
	v31 =	vpop (erf)  }
0xa2: {  	s23 =	sadd.s32 $0x100, s23;
	s24 =	sadd.s32 $0x80, s24;
	v35 =	vmul.f32 v37, v22;
	v37 =	vsub.f32 $1.000000000e+00, v29;
	v22 =	vld [tilespmem:s25+$0x10];
	v36 =	vmul.f32 $1.600000020e+00, v36;
	s25 =	sadd.s32 $0x80, s25  }
0xa3: {  	v19 =	vmul.f32 v19, v30;
	_ =	sdelay $0x1  }
0xa4: {  	v47 =	vadd.f32 v38, v32;
	v19 =	vmul.f32 v21, v19;
	_ =	sdelay $0x1  }
0xa5: {  	v48 =	vmul.f32 v37, v35;
	(erf) = vrcp.f32 v47;
	v19 =	vadd.f32 v19, v17  }
0xa6: {  	v50 =	vmul.f32 v31, v23  }
0xa7: {  	v49 =	vadd.f32 v48, v29;
	(erf) = vrcp.f32 v19  }
0xa8: {  	v52 =	vpop (erf);
	v21 =	vmul.f32 $1.600000020e+00, v50  }
0xa9: {  	v28 =	vmul.f32 v52, v28;
	(erf) = vrcp.f32 v49  }
0xaa: {  	vm0 =	vlt.u32 v15, v1;
	v51 =	vadd.f32 $-5.000000000e-01, v36;
	v53 =	vpop (erf);
	v54 =	vadd.f32 $-5.000000000e-01, v21  }
0xab: {  	vm11 =	vlt.u32 v13, v1;
	v55 =	vmul.f32 $1.600000020e+00, v28;
	v19 =	vmul.f32 v53, v20  }
0xac: {  	vm0 =	vmand vm6, vm0;
	v23 =	vmax.f32 v51, $0.0e+00;
	v20 =	vmax.f32 v54, $0.0e+00  }
0xad: {  	v21 =	vadd.f32 $-5.000000000e-01, v55;
	v20 =	vmin.f32 v20, $1.000000000e+00;
	v19 =	vmul.f32 $1.600000020e+00, v19  }
0xae: {  	vm14 =	vge.u32 v14, v0;
	v23 =	vmin.f32 v23, $1.000000000e+00;
	v20 =	vmul.f32 v20, v34;
	v56 =	vpop (erf)  }
0xaf: {  	v21 =	vmax.f32 v21, $0.0e+00;
	v19 =	vadd.f32 $-5.000000000e-01, v19;
	v15 =	vmul.f32 v56, v32  }
0xb0: {  	[tilespmem:v6+s17+$0x0] =	vst.idx.add.f32.msk vm7, v24;
	vm1 =	vmand vm14, vm1;
	v23 =	vmul.f32 v23, v26;
	v21 =	vmin.f32 v21, $1.000000000e+00;
	v57 =	vpop (erf)  }
0xb1: {  	[tilespmem:s20+$0xFFFFFFE0] =	vst v20;
	v19 =	vmax.f32 v19, $0.0e+00;
	v15 =	vmul.f32 $1.600000020e+00, v15;
	v58 =	vmul.f32 v57, v17  }
0xb2: {  	v21 =	vmul.f32 v21, v33;
	[tilespmem:v9+s17+$0x0] =	vst.idx.add.f32.msk vm0, v20;
	vm0 =	vmand vm2, vm11;
	v19 =	vmin.f32 v19, $1.000000000e+00;
	v59 =	vpop (erf)  }
0xb3: {  	[tilespmem:s20+$0x30] =	vst v23;
	v15 =	vadd.f32 $-5.000000000e-01, v15;
	v60 =	vmul.f32 v59, v29;
	v17 =	vmul.f32 $1.600000020e+00, v58  }
0xb4: {  	vm12 =	vlt.u32 v12, v1;
	[tilespmem:v5+s17+$0x0] =	vst.idx.add.f32.msk vm3, v23;
	v19 =	vmul.f32 v19, v27  }
0xb5: {  	[tilespmem:s20+$0xFFFFFFC0] =	vst v21;
	v15 =	vmax.f32 v15, $0.0e+00;
	v9 =	vmul.f32 $1.600000020e+00, v60;
	v61 =	vadd.f32 $-5.000000000e-01, v17  }
0xb6: {  	vm15 =	vlt.u32 v11, v1;
	vm13 =	vmand vm4, vm12;
	[tilespmem:v4+s17+$0x0] =	vst.idx.add.f32.msk vm1, v21;
	v15 =	vmin.f32 v15, $1.000000000e+00  }
0xb7: {  	[tilespmem:s20+$0x0] =	vst v19;
	v62 =	vmul.f32 v15, v25;
	v5 =	vadd.f32 $-5.000000000e-01, v9;
	v63 =	vmax.f32 v61, $0.0e+00  }
0xb8: {  	vm3 =	vmand vm5, vm15;
	[tilespmem:v7+s17+$0x0] =	vst.idx.add.f32.msk vm0, v19;
	v6 =	vmin.f32 v63, $1.000000000e+00  }
0xb9: {  	[tilespmem:s20+$0xFFFFFFF0] =	vst v62;
	v5 =	vmax.f32 v5, $0.0e+00;
	v6 =	vmul.f32 v6, v22  }
0xba: {  	[tilespmem:v10+s17+$0x0] =	vst.idx.add.f32.msk vm10, v62;
	v5 =	vmin.f32 v5, $1.000000000e+00  }
0xbb: {  	v5 =	vmul.f32 v5, v18;
	[tilespmem:s20+$0x10] =	vst v6  }
0xbc: {  	[tilespmem:v8+s17+$0x0] =	vst.idx.add.f32.msk vm13, v6  }
0xbd: {  	[tilespmem:s20+$0xFFFFFFD0] =	vst v5  }
0xbe: {  	[tilespmem:v16+s17+$0x0] =	vst.idx.add.f32.msk vm3, v5  }
0xbf: {  	[hbm4b:s8+s3] =	stream.linear.scatter [tilespmem:s18], [sflag:$0x1], $0x2780, $0x38;
	[tilespmem:$0x13D80] =	vst v63  }
0xc0: {  	s19 =	sadd.s32 $0x1, s19  }
0xc1: {  	[hbm4b:s9+s3] =	stream.linear.scatter [tilespmem:s17], [sflag:$0x1], $0x2800, $0x38;
	[tilespmem:$0x13D80] =	vst v63  }
0xc2: {  	p0 =	sne.s32 s19, s10;
	_ =	swait.ge [sflag:s16], $0x2780  }
.Ltmp2:
0xc3: {  	[sflag:s16] =	ssyncset.done $0x0;
	(pc) =	sbr.rel @p0 .LBB2_1-.Ltmp2, $4  }
0xc4: {  	[sflag:s16] =	ssyncadd.s32 $0xFFFFD880  }
0xc5: {  	_ =	swait.ge [sflag:s16], $0x2800  }
0xc6: {  	[sflag:s16] =	ssyncset.done $0x0  }
0xc7: {  	[sflag:s16] =	ssyncadd.s32 $0xFFFFD800  }
0xc8: {  	_ =	sfence.sel $0x180000  }
0xc9: {  	[bflag:$0x0] =	sbarrier.arrive $0xFFFF  }
0xca: {  	_ =	strace $0x90000047  }
0xcb: {  	[bflag:$0x2] =	sbarrier.arrive $0xFFFF  }
0xcc: {  	p0 =	sne.s32 s0, $0x0;
	s0 =	rddreg [dreg:$0x5]  }
0xcd: {  	s0 =	sadd.s32 @!p0 $0x100000, s0  }
0xce: {  	[sflag:s0] =	ssyncadd.tile.s32 @!p0 $0x1;
	_ =	shalt  }
.Lfunc_end2:
_tile_overlayer_lowered:
.L_overlay_start_2:
0xcf: {  	(tag) =	ssettag $0x2  }
0xd0: {  	s0 =	rddreg [dreg:$0x0];
	s2 =	stileid.u32  }
0xd1: {  	s1 =	rddreg [dreg:$0x1];
	p0 =	sne.s32 s2, $0x0  }
0xd2: {  	s3 =	rddreg [dreg:$0x2];
	[bflag:$0x3] =	sbarrier.arrive $0xFFFF;
	s2 =	simm.s32 @!p0 $0x1C02  }
0xd3: {  	[timem:s3], [sflag:s2] =	dma.local @!p0 [hbm:s0], s1  }
0xd4: {  	s0 =	simm.s32 @!p0 $0x2  }
0xd5: {  	_ =	swait.ge @!p0 [sflag:s0], s1  }
0xd6: {  	s1 =	ssub.s32 @!p0 $0x0, s1;
	[sflag:s0] =	ssyncset.done @!p0 $0x0  }
0xd7: {  	[sflag:s0] =	ssyncadd.s32 @!p0 s1  }
0xd8: {  	[bflag:$0x3] =	sbarrier.arrive $0xFFFF  }
0xd9: {  	_ =	shalt  }

// kernel: kernel.9.cloned.1.call-start
scs
__scs_entry_jumppad:
0x0: {  	(pc) =	sbr.rel $0x88, $3  }
0x1: {  	(tag) =	ssettag $0x0;
	lr =	simm.s32 $0x1  }
0x2: {  	[smem:$0x3F97] =	sst lr;
	_ =	strace $0xD0000000  }
0x3: {  	_ = 	snop  }
0x4: {  	_ = 	snop  }
0x5: {  	_ = 	snop  }
0x6: {  	_ = 	snop  }
0x7: {  	_ = 	snop  }
__scs_overlays_trampoline_lowered:
0x8: {  	[smem:$0x3FA6] =	sst s0  }
0x9: {  	[smem:$0x3FA7] =	sst s1  }
0xa: {  	[smem:$0x3FA8] =	sst s2  }
0xb: {  	[smem:$0x3FA9] =	sst s3  }
0xc: {  	[smem:$0x3FAA] =	sst s4  }
0xd: {  	[smem:$0x3FAB] =	sst s5  }
0xe: {  	[smem:$0x3FAC] =	sst s6  }
0xf: {  	[smem:$0x3FAD] =	sst s7  }
0x10: {  	[smem:$0x3FAE] =	sst s8  }
0x11: {  	[smem:$0x3FAF] =	sst s9;
	s0 =	simm.s32 @!p0 $0x0  }
0x12: {  	s1 =	sld [smem:$0x3F95];
	s0 =	simm.s32 @p0 $0x1  }
0x13: {  	[smem:$0x3FB0] =	sst s0;
	s0 =	simm.s32 @!p1 $0x0  }
0x14: {  	s2 =	sld [smem:$0x3F94];
	s0 =	simm.s32 @p1 $0x1  }
0x15: {  	[smem:$0x3FB1] =	sst s0;
	s0 =	simm.s32 @!p2 $0x0  }
0x16: {  	s3 =	sld [smem:$0x3FDB];
	s0 =	simm.s32 @p2 $0x1  }
0x17: {  	s4 =	simm.s32 $0x1BF5;
	[smem:$0x3FB3] =	sst s0  }
0x18: {  	s0 =	sld [smem:$0x3F96];
	_ =	swait.ge [sflag:s4], $0x0  }
0x19: {  	s7 =	sld [smem:$0x3F97]  }
0x1a: {  	s8 =	sadd.s32 $0xFFFFE003, lr  }
0x1b: {  	s9 =	sadd.s32 $0xFFFFFEF7, lr;
	s5 =	simm.s32 $0xFFFFFFFF;
	p2 =	slt.u32 s8, $0xFFFFF086  }
0x1c: {  	p1 =	slt.u32 s9, $0xF7A;
	s5 =	simm.s32 @!p2 $0x0  }
0x1d: {  	s5 =	simm.s32 @p1 $0x1;
	p0 =	seq.s32 s7, s2  }
0x1e: {  	s7 =	smul.u32 @!p0 $0xF7A, s2;
	p2 =	seq.s32 @!p0 s5, $0x0  }
0x1f: {  	s9 =	smul.u32 $0xF7A, s1;
	s8 =	simm.s32 @!p0 $0x1BF5;
	p2 =	por !p2, p0  }
0x20: {  	[sflag:s8] =	ssyncset.s32 @!p0 $0xFFFFF086;
	s6 =	sadd.s32 @!p0 s3, s7;
	s7 =	simm.s32 @!p0 $0x108  }
0x21: {  	s3 =	sadd.s32 s3, s9;
	s6 =	sadd.s32 @!p0 $0x88, s6;
	s7 =	simm.s32 @p2 $0x1082  }
0x22: {  	[simem:s7], [sflag:s8] =	dma.local @!p0 [hbm:s6], $0xF7A  }
0x23: {  	s9 =	sor.u32 $0xD0000000, s2;
	s6 =	simm.s32 $0x108;
	_ =	swait.ge @!p0 [sflag:s8], $0x0  }
0x24: {  	s3 =	sadd.s32 $0x88, s3;
	s6 =	simm.s32 @!p1 $0x1082;
	[sflag:s4] =	ssyncset.s32 $0xFFFFF086  }
0x25: {  	[simem:s6], [sflag:s4] =	dma.local [hbm:s3], $0xF7A  }
0x26: {  	[smem:$0x3F97] =	sst s1;
	(tag) =	ssettag s2;
	_ =	strace s9  }
0x27: {  	s1 =	sld [smem:$0x3FA7]  }
0x28: {  	s2 =	sld [smem:$0x3FA8]  }
0x29: {  	s4 =	sld [smem:$0x3FAA]  }
0x2a: {  	p0 =	seq.s32 s5, $0x0;
	s5 =	sld [smem:$0x3FAB]  }
0x2b: {  	s6 =	sld [smem:$0x3FAC]  }
0x2c: {  	s7 =	sld [smem:$0x3FAD]  }
0x2d: {  	s3 =	simm.s32 $0x108;
	s8 =	sld [smem:$0x3FAE]  }
0x2e: {  	s3 =	simm.s32 @!p0 $0x1082;
	s9 =	sld [smem:$0x3FAF]  }
0x2f: {  	lr =	sadd.s32 s0, s3;
	s0 =	sld [smem:$0x3FA6]  }
0x30: {  	s3 =	sld [smem:$0x3FA9]  }
0x31: {  	[smem:$0x3FB2] =	sst s10  }
0x32: {  	s10 =	sld [smem:$0x3FB0];
	_ =	sdelay $0x3  }
0x33: {  	p0 =	seq.s32 s10, $0x1;
	s10 =	sld [smem:$0x3FB2];
	_ =	sdelay $0x3  }
0x34: {  	[smem:$0x3FB2] =	sst s10  }
0x35: {  	s10 =	sld [smem:$0x3FB1];
	_ =	sdelay $0x3  }
0x36: {  	p1 =	seq.s32 s10, $0x1;
	s10 =	sld [smem:$0x3FB2];
	_ =	sdelay $0x3  }
0x37: {  	[smem:$0x3FB2] =	sst s10  }
0x38: {  	s10 =	sld [smem:$0x3FB3]  }
0x39: {  	_ = 	snop;
	(pc) =	sbr.ind lr, $3  }
0x3a: {  	_ = 	snop  }
0x3b: {  	_ = 	snop  }
0x3c: {  	p2 =	seq.s32 s10, $0x1;
	s10 =	sld [smem:$0x3FB2]  }
0x3d: {  	_ =	shalt  }
0x3e: {  	_ =	shalt  }
0x3f: {  	_ =	shalt  }
0x40: {  	_ =	shalt  }
0x41: {  	_ =	shalt  }
0x42: {  	_ =	shalt  }
0x43: {  	_ =	shalt  }
0x44: {  	_ =	shalt  }
0x45: {  	_ =	shalt  }
0x46: {  	_ =	shalt  }
0x47: {  	_ =	shalt  }
0x48: {  	_ =	shalt  }
0x49: {  	_ =	shalt  }
0x4a: {  	_ =	shalt  }
0x4b: {  	_ =	shalt  }
0x4c: {  	_ =	shalt  }
0x4d: {  	_ =	shalt  }
0x4e: {  	_ =	shalt  }
0x4f: {  	_ =	shalt  }
0x50: {  	_ =	shalt  }
0x51: {  	_ =	shalt  }
0x52: {  	_ =	shalt  }
0x53: {  	_ =	shalt  }
0x54: {  	_ =	shalt  }
0x55: {  	_ =	shalt  }
0x56: {  	_ =	shalt  }
0x57: {  	_ =	shalt  }
0x58: {  	_ =	shalt  }
0x59: {  	_ =	shalt  }
0x5a: {  	_ =	shalt  }
0x5b: {  	_ =	shalt  }
0x5c: {  	_ =	shalt  }
0x5d: {  	_ =	shalt  }
0x5e: {  	_ =	shalt  }
0x5f: {  	_ =	shalt  }
0x60: {  	_ =	shalt  }
0x61: {  	_ =	shalt  }
0x62: {  	_ =	shalt  }
0x63: {  	_ =	shalt  }
0x64: {  	_ =	shalt  }
0x65: {  	_ =	shalt  }
0x66: {  	_ =	shalt  }
0x67: {  	_ =	shalt  }
0x68: {  	_ =	shalt  }
0x69: {  	_ =	shalt  }
0x6a: {  	_ =	shalt  }
0x6b: {  	_ =	shalt  }
0x6c: {  	_ =	shalt  }
0x6d: {  	_ =	shalt  }
0x6e: {  	_ =	shalt  }
0x6f: {  	_ =	shalt  }
0x70: {  	_ =	shalt  }
0x71: {  	_ =	shalt  }
0x72: {  	_ =	shalt  }
0x73: {  	_ =	shalt  }
0x74: {  	_ =	shalt  }
0x75: {  	_ =	shalt  }
0x76: {  	_ =	shalt  }
0x77: {  	_ =	shalt  }
0x78: {  	_ =	shalt  }
0x79: {  	_ =	shalt  }
0x7a: {  	_ =	shalt  }
0x7b: {  	_ =	shalt  }
0x7c: {  	_ =	shalt  }
0x7d: {  	_ =	shalt  }
0x7e: {  	_ =	shalt  }
0x7f: {  	_ =	shalt  }
0x80: {  	_ =	shalt  }
0x81: {  	_ =	shalt  }
0x82: {  	_ =	shalt  }
0x83: {  	_ =	shalt  }
0x84: {  	_ =	shalt  }
0x85: {  	_ =	shalt  }
0x86: {  	_ =	shalt  }
0x87: {  	_ =	shalt  }
.Lfunc_end0:
.L_simem_size_0:
called_computation.1_lowered:
.L_overlay_start_0:
0x88: {  	s2 =	sld [smem:$0x3FD9]  }
0x89: {  	s3 =	sld [smem:$0x3FFE];
	_ =	sdelay $0x1  }
0x8a: {  	s1 =	srdreg.scid  }
0x8b: {  	s0 =	sand.u32 $0x1, s1  }
0x8c: {  	s17 =	sshll.u32 s0, $0xA;
	s2 =	sadd.s32 s3, s2  }
0x8d: {  	s2 =	sadd.s32 s2, s17  }
0x8e: {  	[smem:$0x3FBE] =	sst s2  }
0x8f: {  	_ = 	snop  }
0x90: {  	s2 =	sld [smem:$0x3FC8]  }
0x91: {  	s18 =	sld [smem:$0x3FD0];
	(tm) =	ssettm $0x1  }
0x92: {  	s4 =	sld [smem:$0x3FFB];
	_ =	sdelay $0x3  }
0x93: {  	_ =	strace s4  }
0x94: {  	s4 =	sld [smem:$0x3FFC];
	_ =	sdelay $0x3  }
0x95: {  	_ =	strace s4  }
0x96: {  	s4 =	sld [smem:$0x3FFD];
	_ =	sdelay $0x3  }
0x97: {  	_ =	strace s4  }
0x98: {  	_ =	strace $0x8FFFFFFF  }
0x99: {  	s19 =	sld [smem:$0x3FDB];
	_ =	sdelay $0x1  }
0x9a: {  	s5 =	simm.s32 $_scs_section_size  }
0x9b: {  	s6 =	simm.s32 $_size__tile_overlayer_lowered;
	s7 =	simm.s32 $_tile_overlayer_lowered  }
0x9c: {  	s22 =	simm.s32 $0x1BFF;
	s21 =	sshll.u32 s7, $0x1;
	s4 =	sadd.s32 s5, s19  }
0x9d: {  	s8 =	simm.s32 $0x0;
	s20 =	sshll.u32 s6, $0x1;
	s6 =	sadd.s32 s21, s4  }
0x9e: {  	[timem:s8], [sflag:s22] =	dma.local [hbm:s6], s20  }
0x9f: {  	_ =	swait.ge [sflag:s22], s20  }
0xa0: {  	s5 =	ssub.s32 $0x0, s20;
	[sflag:s22] =	ssyncset.done $0x0  }
0xa1: {  	[sflag:s22] =	ssyncadd.s32 s5;
	_ =	sdelay $0x1  }
0xa2: {  	s23 =	simm.s32 $0x1B8B  }
0xa3: {  	_ =	swait.ge [sflag:s23], $0x1  }
0xa4: {  	[sflag:s23] =	ssyncset.done $0x0  }
0xa5: {  	s25 =	simm.s32 $0x1B8E;
	s24 =	sld [smem:$0x3FFE];
	[sflag:s23] =	ssyncadd.s32 $0xFFFFFFFF  }
0xa6: {  	s26 =	simm.s32 $execute0_lowered;
	[smem:$0x3FD2] =	sst s25  }
0xa7: {  	s6 =	sshll.u32 s26, $0x1;
	_ =	strace $0x80000049;
	[dreg:$0x1] =	wrdreg $0xFFFFFFFF  }
0xa8: {  	s28 =	simm.s32 $_size_execute0_lowered;
	s4 =	sadd.s32 s4, s6;
	[dreg:$0x0] =	wrdreg $0x0  }
0xa9: {  	s6 =	sshll.u32 s28, $0x1;
	[dreg:$0x2] =	wrdreg s4  }
0xaa: {  	[dreg:$0x3] =	wrdreg s6  }
0xab: {  	[dreg:$0x4] =	wrdreg $0xC0  }
0xac: {  	_ =	task [dreg:s8], $0x5FFFF  }
0xad: {  	[dreg:$0x1] =	wrdreg $0xFFFFFFFF  }
0xae: {  	[dreg:$0x0] =	wrdreg $0x60  }
0xaf: {  	[dreg:$0x2] =	wrdreg s24  }
0xb0: {  	[dreg:$0x3] =	wrdreg s2  }
0xb1: {  	[dreg:$0x4] =	wrdreg s18  }
0xb2: {  	[dreg:$0x5] =	wrdreg $0x9  }
0xb3: {  	_ =	task.clear_ibuf [dreg:s8], $0x6FFFF;
	_ =	strace $0x90000049  }
0xb4: {  	s29 =	simm.s32 $0x9;
	_ =	strace $0x8000004B  }
0xb5: {  	_ =	swait.ge [sflag:s29], $0x1  }
0xb6: {  	[sflag:s29] =	ssyncadd.s32 $0xFFFFFFFF  }
0xb7: {  	_ =	strace $0x9000004B  }
0xb8: {  	_ =	sfence  }
0xb9: {  	s30 =	sld [smem:$0x0];
	_ =	sdelay $0x2  }
0xba: {  	s31 =	sshll.u32 s1, $0xD;
	s1 =	sshrl.u32 s1, $0x2  }
0xbb: {  	s3 =	sand.u32 $0x4000, s31;
	s1 =	sadd.s32 s1, s30  }
0xbc: {  	s0 =	sor.u32 s3, s0;
	s1 =	sshll.u32 s1, $0x11  }
0xbd: {  	s0 =	sor.u32 s1, s0  }
0xbe: {  	s0 =	sadd.s32 $0x8F2B, s0  }
0xbf: {  	[sflag:s0] =	ssyncadd.remote.s32 $0x1  }
0xc0: {  	_ =	sfence.sel $0xFFFF  }
0xc1: {  	[dreg:$0x0] =	wrdreg $0xFFFFFFFF;
	(pc) =	sbr.abs _section_cstart, $3  }
0xc2: {  	[dreg:$0x1] =	wrdreg $0xFFFFFFFF  }
0xc3: {  	_ =	task.clear_ibuf [dreg:s8], $0x2FFFF;
	_ =	strace $0x9FFFFFFF  }
0xc4: {  	(tm) =	ssettm $0x7FFFFFFF  }
0xc5: {  	_ =	shalt  }
tec
execute0_lowered:
.L_overlay_start_1:
0x0: {  	(tag) =	ssettag $0x1  }
0x1: {  	s4 =	rddreg [dreg:$0x0]  }
0x2: {  	s5 =	rddreg [dreg:$0x1]  }
0x3: {  	s1 =	srdreg.scid;
	s0 =	stileid.u32  }
0x4: {  	s6 =	rddreg [dreg:$0x2];
	s7 =	sand.u32 $0x1, s1;
	s3 =	sshll.u32 s0, $0x1  }
0x5: {  	s2 =	simm.s32 $0x0;
	s12 =	simm.s32 $0x2;
	s3 =	sor.u32 s7, s3  }
0x6: {  	s13 =	simm.s32 $0x0;
	[smem:$0x7FF] =	sst s2;
	s8 =	smul.u32 $0x2710, s3  }
0x7: {  	s1 =	rddreg [dreg:$0x3];
	_ =	strace $0x8000004A;
	s7 =	ssub.s32 $0x2, s7  }
0x8: {  	s3 =	sadd.s32 $0x1800, s4;
	s10 =	sshrl.u32 s7, $0x1;
	s8 =	sshrl.u32 s8, $0x7  }
0x9: {  	s7 =	ssub.s32 s7, s10;
	s10 =	simm.s32 $0x1;
	s9 =	sshll.u32 s8, $0x4  }
0xa: {  	s7 =	smax.u32 s7, $0x1;
	s8 =	sshll.u32 s8, $0x5;
	s11 =	sadd.s32 s9, s4  }
0xb: {  	s4 =	sadd.s32 s5, s8;
	s6 =	sadd.s32 s6, s9;
	s8 =	simm.s32 $0x2800  }
0xc: {  	s9 =	simm.s32 $0x7700;
	s5 =	sadd.s32 $0xBE00, s11;
	s11 =	simm.s32 $0x9E80  }
.LBB2_1:
0xd: {  	[tilespmem:s2], [sflag:$0x1] =	stream.linear.gather [hbm4b:s3+s2], $0x2800, $0x38;
	[tilespmem:$0xC600] =	vst v63  }
0xe: {  	_ = 	snop  }
0xf: {  	[tilespmem:s8], [sflag:$0x1] =	stream.linear.gather [hbm4b:s4+s2], $0x4F00, $0x38;
	[tilespmem:$0xC600] =	vst v63  }
0x10: {  	_ = 	snop  }
0x11: {  	[tilespmem:s9], [sflag:$0x1] =	stream.linear.gather [hbm4b:s5+s2], $0x2780, $0x38;
	[tilespmem:$0xC600] =	vst v63  }
0x12: {  	_ =	swait.ge [sflag:s10], $0x2800  }
0x13: {  	[sflag:s10] =	ssyncset.done $0x0  }
0x14: {  	[sflag:s10] =	ssyncadd.s32 $0xFFFFD800  }
0x15: {  	_ =	swait.ge [sflag:s10], $0x4F00  }
0x16: {  	[sflag:s10] =	ssyncset.done $0x0  }
0x17: {  	[sflag:s10] =	ssyncadd.s32 $0xFFFFB100  }
0x18: {  	_ =	swait.ge [sflag:s10], $0x2780  }
0x19: {  	[sflag:s10] =	ssyncset.done $0x0  }
0x1a: {  	s15 =	simm.s32 $0x2880;
	[sflag:s10] =	ssyncadd.s32 $0xFFFFD880  }
0x1b: {  	v0 =	vld [tilespmem:s15+$0xFFFFFFF0]  }
0x1c: {  	v1 =	vld [tilespmem:s15+$0xFFFFFF90]  }
0x1d: {  	v2 =	vld [tilespmem:s15+$0x70]  }
0x1e: {  	v3 =	vld [tilespmem:s15+$0xFFFFFFA0]  }
0x1f: {  	v4 =	vld [tilespmem:s15+$0xFFFFFFB0]  }
0x20: {  	v5 =	vld [tilespmem:s15+$0xFFFFFFC0]  }
0x21: {  	v6 =	vld [tilespmem:s15+$0xFFFFFFD0]  }
0x22: {  	s14 =	simm.s32 $0x7740;
	v7 =	vld [tilespmem:s15+$0xFFFFFFE0]  }
0x23: {  	v8 =	vld [tilespmem:s14+$0x30]  }
0x24: {  	v9 =	vld [tilespmem:s15+$0xFFFFFF80]  }
0x25: {  	v10 =	vld [tilespmem:s15+$0x0]  }
0x26: {  	v11 =	vld [tilespmem:s15+$0x10]  }
0x27: {  	v12 =	vld [tilespmem:s15+$0x20]  }
0x28: {  	v13 =	vld [tilespmem:s15+$0x30]  }
0x29: {  	v14 =	vld [tilespmem:s15+$0x40]  }
0x2a: {  	v15 =	vld [tilespmem:s15+$0x50]  }
0x2b: {  	v16 =	vld [tilespmem:s15+$0x60]  }
0x2c: {  	v21 =	vld [tilespmem:s14+$0xFFFFFFE0]  }
0x2d: {  	v22 =	vld [tilespmem:s14+$0xFFFFFFF0]  }
0x2e: {  	v23 =	vld [tilespmem:s14+$0x0]  }
0x2f: {  	v24 =	vld [tilespmem:s14+$0x10]  }
0x30: {  	v25 =	vld [tilespmem:s14+$0x20]  }
0x31: {  	v0 =	vld.idx.msk [tilespmem:v0+s2+$0x0], $0xffff  }
0x32: {  	v2 =	vld.idx.msk [tilespmem:v2+s2+$0x0], $0xffff  }
0x33: {  	v9 =	vld.idx.msk [tilespmem:v9+s2+$0x0], $0xffff  }
0x34: {  	v1 =	vld.idx.msk [tilespmem:v1+s2+$0x0], $0xffff  }
0x35: {  	v3 =	vld.idx.msk [tilespmem:v3+s2+$0x0], $0xffff  }
0x36: {  	v17 =	vld.idx.msk [tilespmem:v4+s2+$0x0], $0xffff  }
0x37: {  	v18 =	vld.idx.msk [tilespmem:v5+s2+$0x0], $0xffff  }
0x38: {  	v19 =	vld.idx.msk [tilespmem:v6+s2+$0x0], $0xffff  }
0x39: {  	v4 =	vld [tilespmem:s14+$0xFFFFFFC0]  }
0x3a: {  	v5 =	vld [tilespmem:s14+$0xFFFFFFD0]  }
0x3b: {  	v20 =	vld.idx.msk [tilespmem:v7+s2+$0x0], $0xffff  }
0x3c: {  	v26 =	vld.idx.msk [tilespmem:v10+s2+$0x0], $0xffff  }
0x3d: {  	v10 =	vld.idx.msk [tilespmem:v11+s2+$0x0], $0xffff  }
0x3e: {  	v6 =	vld.idx.msk [tilespmem:v12+s2+$0x0], $0xffff;
	v0 =	vmul.f32 v8, v0;
	v12 =	vmul.f32 v4, v9  }
0x3f: {  	v7 =	vld.idx.msk [tilespmem:v13+s2+$0x0], $0xffff;
	v5 =	vmul.f32 v5, v1;
	v4 =	vmul.f32 v21, v3  }
0x40: {  	v8 =	vld.idx.msk [tilespmem:v14+s2+$0x0], $0xffff;
	v3 =	vmul.f32 v23, v18;
	v11 =	vmul.f32 v0, v2  }
0x41: {  	s15 =	simm.s32 $0x9EC0;
	v9 =	vld.idx.msk [tilespmem:v15+s2+$0x0], $0xffff;
	v1 =	vmul.f32 v25, v20;
	v2 =	vmul.f32 v22, v17  }
0x42: {  	s16 =	simm.s32 $0x0;
	s17 =	simm.s32 $0x2980;
	v0 =	vmul.f32 v24, v19;
	v12 =	vmul.f32 v12, v26;
	[tilespmem:s15+$0x30] =	vst v11;
	v11 =	vld.idx.msk [tilespmem:v16+s2+$0x0], $0xffff  }
.LBB2_2:
0x43: {  	v13 =	vld [tilespmem:s17+$0xFFFFFFF0];
	s16 =	sadd.s32 $0x8, s16;
	v5 =	vmul.f32 v5, v10  }
0x44: {  	v4 =	vmul.f32 v4, v6;
	v10 =	vld [tilespmem:s17+$0xFFFFFF90];
	p0 =	slt.u32 s16, $0x270;
	[tilespmem:s15+$0xFFFFFFC0] =	vst v12  }
0x45: {  	v2 =	vmul.f32 v2, v7;
	v6 =	vld [tilespmem:s17+$0x70];
	[tilespmem:s15+$0xFFFFFFD0] =	vst v5  }
0x46: {  	v3 =	vmul.f32 v3, v8;
	v5 =	vld [tilespmem:s17+$0xFFFFFFA0];
	[tilespmem:s15+$0xFFFFFFE0] =	vst v4  }
0x47: {  	v0 =	vmul.f32 v0, v9;
	v4 =	vld [tilespmem:s17+$0xFFFFFFB0];
	[tilespmem:s15+$0xFFFFFFF0] =	vst v2  }
0x48: {  	v1 =	vmul.f32 v1, v11;
	v2 =	vld [tilespmem:s17+$0xFFFFFFC0];
	[tilespmem:s15+$0x0] =	vst v3  }
0x49: {  	v3 =	vld [tilespmem:s17+$0xFFFFFFD0];
	[tilespmem:s15+$0x10] =	vst v0  }
0x4a: {  	v0 =	vld [tilespmem:s17+$0xFFFFFFE0];
	[tilespmem:s15+$0x20] =	vst v1  }
0x4b: {  	s14 =	sadd.s32 $0x80, s14;
	v1 =	vld.idx.msk [tilespmem:v13+s2+$0x0], $0xffff  }
0x4c: {  	v7 =	vld [tilespmem:s14+$0x30]  }
0x4d: {  	v6 =	vld.idx.msk [tilespmem:v6+s2+$0x0], $0xffff  }
0x4e: {  	v8 =	vld [tilespmem:s17+$0xFFFFFF80]  }
0x4f: {  	v9 =	vld [tilespmem:s17+$0x0]  }
0x50: {  	v11 =	vld [tilespmem:s17+$0x10]  }
0x51: {  	v12 =	vld [tilespmem:s17+$0x20];
	v1 =	vmul.f32 v7, v1  }
0x52: {  	v7 =	vld [tilespmem:s17+$0x30]  }
0x53: {  	v13 =	vld [tilespmem:s17+$0x40];
	v1 =	vmul.f32 v1, v6  }
0x54: {  	s15 =	sadd.s32 $0x80, s15;
	v14 =	vld [tilespmem:s17+$0x50]  }
0x55: {  	v15 =	vld [tilespmem:s17+$0x60];
	[tilespmem:s15+$0x30] =	vst v1  }
0x56: {  	v1 =	vld.idx.msk [tilespmem:v8+s2+$0x0], $0xffff  }
0x57: {  	v6 =	vld.idx.msk [tilespmem:v10+s2+$0x0], $0xffff  }
0x58: {  	v8 =	vld.idx.msk [tilespmem:v5+s2+$0x0], $0xffff  }
0x59: {  	v16 =	vld.idx.msk [tilespmem:v4+s2+$0x0], $0xffff  }
0x5a: {  	v17 =	vld.idx.msk [tilespmem:v2+s2+$0x0], $0xffff  }
0x5b: {  	v18 =	vld.idx.msk [tilespmem:v3+s2+$0x0], $0xffff  }
0x5c: {  	v19 =	vld.idx.msk [tilespmem:v0+s2+$0x0], $0xffff  }
0x5d: {  	v0 =	vld [tilespmem:s14+$0xFFFFFFC0]  }
0x5e: {  	v2 =	vld [tilespmem:s14+$0xFFFFFFD0]  }
0x5f: {  	v3 =	vld [tilespmem:s14+$0xFFFFFFE0]  }
0x60: {  	v20 =	vld [tilespmem:s14+$0xFFFFFFF0]  }
0x61: {  	v21 =	vld [tilespmem:s14+$0x0]  }
0x62: {  	v22 =	vmul.f32 v0, v1;
	v0 =	vld [tilespmem:s14+$0x10]  }
0x63: {  	v5 =	vmul.f32 v2, v6;
	v1 =	vld [tilespmem:s14+$0x20]  }
0x64: {  	v23 =	vld.idx.msk [tilespmem:v9+s2+$0x0], $0xffff;
	v4 =	vmul.f32 v3, v8  }
0x65: {  	v10 =	vld.idx.msk [tilespmem:v11+s2+$0x0], $0xffff;
	v2 =	vmul.f32 v20, v16  }
.Ltmp0:
0x66: {  	v6 =	vld.idx.msk [tilespmem:v12+s2+$0x0], $0xffff;
	v3 =	vmul.f32 v21, v17;
	(pc) =	sbr.rel @p0 .LBB2_2-.Ltmp0, $4  }
0x67: {  	v7 =	vld.idx.msk [tilespmem:v7+s2+$0x0], $0xffff;
	v0 =	vmul.f32 v0, v18  }
0x68: {  	v8 =	vld.idx.msk [tilespmem:v13+s2+$0x0], $0xffff;
	v1 =	vmul.f32 v1, v19  }
0x69: {  	v9 =	vld.idx.msk [tilespmem:v14+s2+$0x0], $0xffff  }
0x6a: {  	s17 =	sadd.s32 $0x100, s17;
	v12 =	vmul.f32 v22, v23;
	v11 =	vld.idx.msk [tilespmem:v15+s2+$0x0], $0xffff  }
0x6b: {  	v5 =	vmul.f32 v5, v10  }
0x6c: {  	v4 =	vmul.f32 v4, v6;
	[tilespmem:s15+$0xFFFFFFC0] =	vst v12  }
0x6d: {  	v2 =	vmul.f32 v2, v7;
	[tilespmem:s15+$0xFFFFFFD0] =	vst v5  }
0x6e: {  	[tilespmem:s15+$0xFFFFFFE0] =	vst v4;
	v3 =	vmul.f32 v3, v8  }
0x6f: {  	[tilespmem:s15+$0xFFFFFFF0] =	vst v2;
	v0 =	vmul.f32 v0, v9  }
0x70: {  	s13 =	sadd.s32 $0x1, s13;
	[tilespmem:s15+$0x0] =	vst v3;
	v1 =	vmul.f32 v1, v11  }
0x71: {  	p0 =	sne.s32 s13, s7;
	[tilespmem:s15+$0x10] =	vst v0  }
.Ltmp1:
0x72: {  	[tilespmem:s15+$0x20] =	vst v1;
	(pc) =	sbr.rel @p0 .LBB2_1-.Ltmp1, $4  }
0x73: {  	[hbm4b:s6+s2] =	stream.linear.scatter [tilespmem:s11], [sflag:$0x2], $0x2780, $0x38;
	[tilespmem:$0xC600] =	vst v63  }
0x74: {  	_ =	swait.ge [sflag:s12], $0x2780  }
0x75: {  	[sflag:s12] =	ssyncset.done $0x0  }
0x76: {  	[sflag:s12] =	ssyncadd.s32 $0xFFFFD880  }
0x77: {  	_ =	sfence.sel $0x180000  }
0x78: {  	[bflag:$0x0] =	sbarrier.arrive $0xFFFF  }
0x79: {  	p0 =	sne.s32 s0, $0x0;
	_ =	strace $0x9000004A  }
0x7a: {  	s0 =	sadd.s32 @!p0 $0x100000, s1;
	[bflag:$0x2] =	sbarrier.arrive $0xFFFF  }
0x7b: {  	[sflag:s0] =	ssyncadd.tile.s32 @!p0 $0x1;
	_ =	shalt  }
.Lfunc_end2:
_tile_overlayer_lowered:
.L_overlay_start_2:
0x7c: {  	(tag) =	ssettag $0x2  }
0x7d: {  	s0 =	rddreg [dreg:$0x0];
	s2 =	stileid.u32  }
0x7e: {  	s1 =	rddreg [dreg:$0x1];
	p0 =	sne.s32 s2, $0x0  }
0x7f: {  	s3 =	rddreg [dreg:$0x2];
	[bflag:$0x3] =	sbarrier.arrive $0xFFFF;
	s2 =	simm.s32 @!p0 $0x1C02  }
0x80: {  	[timem:s3], [sflag:s2] =	dma.local @!p0 [hbm:s0], s1  }
0x81: {  	s0 =	simm.s32 @!p0 $0x2  }
0x82: {  	_ =	swait.ge @!p0 [sflag:s0], s1  }
0x83: {  	s1 =	ssub.s32 @!p0 $0x0, s1;
	[sflag:s0] =	ssyncset.done @!p0 $0x0  }
0x84: {  	[sflag:s0] =	ssyncadd.s32 @!p0 s1  }
0x85: {  	[bflag:$0x3] =	sbarrier.arrive $0xFFFF  }
0x86: {  	_ =	shalt  }

</sc_bundles>
